<compile_context>
chip_gen: v7x
topology: tpu7x:2x2x1
jax: 0.10.2.dev20260603
libtpu: 0.0.44.dev20260713+nightly
codegen_flags: <defaults>
</compile_context>

<pallas_src>
import functools

import jax
import jax.numpy as jnp
import numpy as np
from jax import lax
from jax.experimental import pallas as pl
from jax.experimental.pallas import tpu as pltpu
from jax.experimental.pallas import tpu_sc as plsc

_H = 384
_W = 384
_A = 180
_R = 180
_AP = 184
_FLAGS = _AP * _AP
_NV = _FLAGS // 16
_NSUB = 16
_ROWS = _H // _NSUB
_STRIP = _ROWS * _W


def _nms_body(p_ref, f_ref):
    P = p_ref[...]
    xc = P[:, 1:185, 1:185]
    pooled = xc
    for di in range(3):
        for dj in range(3):
            pooled = jnp.maximum(pooled, P[:, di:di + 184, dj:dj + 184])
    gmax = jnp.max(P, axis=(1, 2), keepdims=True)
    flag = jnp.logical_and(xc == pooled, xc > 0.5 * gmax)
    f_ref[...] = flag.astype(jnp.float32)


_nms = pl.pallas_call(
    _nms_body,
    out_shape=jax.ShapeDtypeStruct((2, _AP, _AP), jnp.float32),
)


def _raster_body(flags_hbm, tab_hbm, out_hbm, flags_v, tab_v, strip_v):
    c = lax.axis_index("c")
    s = lax.axis_index("s")

    pltpu.sync_copy(flags_hbm.at[c], flags_v)
    pltpu.sync_copy(tab_hbm, tab_v)

    zeros16 = jnp.zeros((16,), jnp.float32)
    ones16 = jnp.ones((16,), jnp.float32)

    def _zero(i, carry):
        strip_v[pl.ds(i * 16, 16)] = zeros16
        return carry

    lax.fori_loop(0, _STRIP // 16 + 1, _zero, 0)

    iota = lax.iota(jnp.int32, 16)
    row0 = s * _ROWS
    ok1 = iota < 8
    base0 = iota * _W
    base1 = jnp.where(ok1, (iota + 16) * _W, 0)

    def _gather(idx):
        return plsc.load_gather(tab_v.at[:], [idx])

    y0 = _gather(row0 + iota + 576)
    y1 = _gather(jnp.minimum(row0 + 16 + iota, _H - 1) + 576)

    def _process_peak(qv):
        av = ((qv.astype(jnp.float32) + 0.5)
              * jnp.float32(1.0 / _AP)).astype(jnp.int32)
        rv = qv - av * _AP
        cs = _gather(av)
        sn = _gather(av + 192)
        rh = _gather(rv + 384)
        inv = 1.0 / cs
        hw = 3.0 * jnp.abs(inv)
        marg = 2.5 + 2e-4 * hw

        def _group(yv, basev, okv):
            uc = (rh - sn * yv) * inv + 191.5
            jlo = jnp.clip(uc - hw - marg, 0.0, 384.0)
            jhi = jnp.clip(uc + hw + marg, 0.0, 384.0)
            jstart = jnp.maximum(jlo.astype(jnp.int32) - 1, 0)
            mcnt = jhi.astype(jnp.int32) - jstart + 2
            if okv is not None:
                mcnt = jnp.where(okv, mcnt, 0)
            m = jnp.max(mcnt)

            def _col(kk, carry):
                j = jstart + kk
                jsafe = jnp.where(j < _W, j, 0)
                x = _gather(jsafe + 576)
                d = cs * x + sn * yv - rh
                pred = (jnp.abs(d) < 3.0) & (j < _W)
                if okv is not None:
                    pred = pred & okv
                idx = jnp.where(pred, basev + jsafe, _STRIP + iota)
                plsc.store_scatter(strip_v.at[:], [idx], ones16)
                return carry

            lax.fori_loop(0, m, _col, 0)

        _group(y0, base0, None)
        _group(y1, base1, ok1)

    def _scan(i, carry):
        fv = flags_v[pl.ds(i * 16, 16)]
        msk0 = fv > 0.0
        cnt = jnp.sum(jnp.where(msk0, 1, 0))

        @pl.when(cnt > 0)
        def _have():
            def _pk(k, mvec):
                msk = mvec > 0
                first = jnp.min(jnp.where(msk, iota, 16))
                qv = jnp.full((16,), i * 16, jnp.int32) + first
                _process_peak(qv)
                return jnp.where(iota == first, 0, mvec)

            lax.fori_loop(0, cnt, _pk, jnp.where(msk0, 1, 0))

        return carry

    lax.fori_loop(0, _NV, _scan, 0)

    pltpu.sync_copy(strip_v.at[pl.ds(0, _STRIP)],
                    out_hbm.at[c, pl.ds(row0 * _W, _STRIP)])


_raster = functools.partial(
    pl.kernel,
    out_type=jax.ShapeDtypeStruct((2, _H * _W), jnp.float32),
    mesh=plsc.VectorSubcoreMesh(core_axis_name="c", subcore_axis_name="s",
                                num_cores=2, num_subcores=_NSUB),
    compiler_params=pltpu.CompilerParams(needs_layout_passes=False),
    scratch_types=[
        pltpu.VMEM((_FLAGS,), jnp.float32),
        pltpu.VMEM((960,), jnp.float32),
        pltpu.VMEM((_STRIP + 16,), jnp.float32),
    ],
)(_raster_body)


def kernel(hough_map):
    h = hough_map[:, 0]
    P = jnp.full((2, 192, 192), -jnp.inf, dtype=jnp.float32)
    P = P.at[:, 1:181, 1:181].set(h)
    flags = _nms(P).reshape(2, _FLAGS)

    hz = hough_map.reshape(-1)[0] * 0.0
    theta = jnp.arange(_A, dtype=jnp.float32) * (np.pi / _A) + hz
    probe = jnp.zeros((2, 128), jnp.float32)
    probe = probe.at[0, 0].set(1.0).at[1, 1].set(1.0)

    def _tab_body(carry, theta_a):
        cos_a = jnp.cos(theta_a)
        sin_a = jnp.sin(theta_a)
        normal_vec = jnp.stack([cos_a, sin_a], axis=0)
        rho_cal = normal_vec @ probe
        return carry, rho_cal[:2]

    _, cs_pairs = lax.scan(_tab_body, 0, theta, unroll=12)
    cos_t = cs_pairs[:, 0]
    sin_t = cs_pairs[:, 1]
    max_rho = jnp.sqrt(jnp.asarray((_W / 2.0) ** 2 + (_H / 2.0) ** 2,
                                   dtype=jnp.float32))
    delta_rho = 2.0 * max_rho / (_R - 1)
    rho_all = (jnp.arange(_R, dtype=jnp.float32) - _R / 2.0) * delta_rho
    coordf = jnp.arange(_W, dtype=jnp.float32) - (_W - 1) / 2.0
    cb = lax.bitcast_convert_type(coordf, jnp.int32)
    cb = (cb + 0x7FFF + ((cb >> 16) & 1)) & ~0xFFFF
    coord = lax.bitcast_convert_type(cb, jnp.float32)
    pad = jnp.zeros((12,), jnp.float32)
    tab = jnp.concatenate([cos_t, jnp.ones((12,), jnp.float32),
                           sin_t, pad, rho_all, pad, coord])

    out = _raster(flags, tab)
    return out.reshape(2, 1, _H, _W)

# --- scband reference (transcript-rebuilt; emitter-appended) ---
"""Pipeline reference for scband-directional-mask-generator-20907900797189 (READ-ONLY COPY).

The authoritative reference and input builder live on the scoring server;
editing this copy changes nothing except your own understanding.
"""

import jax, jax.numpy as jnp
import numpy as np
from jax import lax

IMAGE_SIZE = (384, 384)
NUM_ANGLE = 180
NUM_RHO = 180
MASK_WIDTH = 3.0
N_BATCH = 2
C_CH = 1


def setup_inputs(seed: int = 0) -> dict:
    key = jax.random.key(seed)
    hough_map = jax.random.normal(key, (N_BATCH, C_CH, NUM_ANGLE, NUM_RHO), dtype=jnp.float32)
    return {"hough_map": hough_map}


def _xy_grid(H, W):
    y, x = jnp.meshgrid(
        jnp.arange(H, dtype=jnp.float32) - (H - 1) / 2.0,
        jnp.arange(W, dtype=jnp.float32) - (W - 1) / 2.0,
        indexing='ij')
    return jnp.stack([x, y], 0).reshape(2, -1)


def reference(hough_map):
    H, W = IMAGE_SIZE
    num_angle, num_rho, mask_width = NUM_ANGLE, NUM_RHO, MASK_WIDTH
    N, C, A, R = hough_map.shape
    # PeakDetection: 3x3 max-pool (stride 1, pad 1) local-maximum test + 0.5*global-max threshold
    pooled = lax.reduce_window(hough_map, -jnp.inf, lax.max,
                               (1, 1, 3, 3), (1, 1, 1, 1), 'SAME')
    peak_mask = (hough_map == pooled) & (
        hough_map > 0.5 * jnp.max(hough_map, axis=(-2, -1), keepdims=True))
    max_rho = jnp.sqrt(jnp.asarray((W / 2.0) ** 2 + (H / 2.0) ** 2, dtype=jnp.float32))
    delta_rho = 2.0 * max_rho / (num_rho - 1)
    theta_all = jnp.arange(A, dtype=jnp.float32) * (jnp.pi / num_angle)
    rho_all = (jnp.arange(R, dtype=jnp.float32) - num_rho / 2.0) * delta_rho
    peak_f = jnp.moveaxis(peak_mask.reshape(N * C, A, R).astype(jnp.float32), 1, 0)  # (A, N*C, R)
    xy = _xy_grid(H, W)  # (2, H*W)

    def body(mask, inputs):
        theta_a, peak_a = inputs  # scalar, (N*C, R)
        cos_t = jnp.cos(theta_a)
        sin_t = jnp.sin(theta_a)
        normal_vec = jnp.stack([cos_t, sin_t], axis=0)  # (2,)
        rho_cal = normal_vec @ xy                        # (H*W,)
        distance = jnp.abs(rho_cal[None, :] - rho_all[:, None])
        batch_mask = (distance < mask_width).astype(jnp.float32)  # (R, H*W)
        # scatter_reduce amax over (n,c) slots == segment_max; on exact 0/1 floats
        # the per-slot max over flagged rho bins equals (peak_a @ batch_mask > 0)
        seg = (peak_a @ batch_mask > 0.0).astype(jnp.float32)
        mask = jnp.maximum(mask, seg)
        return mask, None

    mask0 = jnp.zeros((N * C, H * W), dtype=jnp.float32)
    mask, _ = lax.scan(body, mask0, (theta_all, peak_f))
    return mask.reshape(N, C, H, W)

if __name__ == "__main__":
    import jax
    _d = setup_inputs()
    print(jax.jit(kernel)(*tuple(_d.values())))

</pallas_src>

<mosaic_0001>
#map = affine_map<(d0, d1) -> (0, 0)>
#map1 = affine_map<(d0, d1) -> (0)>
module attributes {stable_mosaic.version = 14 : i64} {
  func.func @_raster_body(%arg0: i32, %arg1: i32, %arg2: memref<2x33856xf32, #tpu.memory_space<hbm>>, %arg3: memref<960xf32, #tpu.memory_space<hbm>>, %arg4: memref<2x147456xf32, #tpu.memory_space<hbm>>, %arg5: memref<33856xf32, #tpu.memory_space<vmem>>, %arg6: memref<960xf32, #tpu.memory_space<vmem>>, %arg7: memref<9232xf32, #tpu.memory_space<vmem>>) attributes {dimension_semantics = [#tpu.dimension_semantics<core_parallel>, #tpu.dimension_semantics<subcore_parallel>], iteration_bounds = array<i64: 2, 16>, scalar_prefetch = 0 : i64, scratch_operands = 3 : i64, tpu.core_type = #tpu.core_type<sc_vector_subcore>, window_params = [{transform_indices = #map}, {transform_indices = #map1}, {transform_indices = #map}]} {
    "tpu.region"() ({
      %run_scoped3A = tpu.sem_alloc : memref<!tpu.dma_semaphore, #tpu.memory_space<semaphore_mem>>
      %dma_start3A = arith.constant 0 : i32
      %dma_start3A_47 = tpu.memref_slice %arg2[%arg0, %dma_start3A] : memref<2x33856xf32, #tpu.memory_space<hbm>> -> memref<1x33856xf32, #tpu.memory_space<hbm>>
      %dma_start3A_48 = tpu.memref_squeeze %dma_start3A_47 : memref<1x33856xf32, #tpu.memory_space<hbm>> -> memref<33856xf32, #tpu.memory_space<hbm>>
      %dma_start3A_49 = arith.constant 0 : i32
      %dma_start3A_50 = tpu.memref_slice %arg2[%arg0, %dma_start3A_49] : memref<2x33856xf32, #tpu.memory_space<hbm>> -> memref<1x33856xf32, #tpu.memory_space<hbm>>
      %dma_start3A_51 = tpu.memref_squeeze %dma_start3A_50 : memref<1x33856xf32, #tpu.memory_space<hbm>> -> memref<33856xf32, #tpu.memory_space<hbm>>
      tpu.enqueue_dma source(%dma_start3A_51 : memref<33856xf32, #tpu.memory_space<hbm>>) target(%arg5 : memref<33856xf32, #tpu.memory_space<vmem>>) target_semaphore(%run_scoped3A : memref<!tpu.dma_semaphore, #tpu.memory_space<semaphore_mem>>)
      %dma_wait3A = arith.constant 0 : i32
      %dma_wait3A_52 = tpu.memref_slice %arg2[%arg0, %dma_wait3A] : memref<2x33856xf32, #tpu.memory_space<hbm>> -> memref<1x33856xf32, #tpu.memory_space<hbm>>
      %dma_wait3A_53 = tpu.memref_squeeze %dma_wait3A_52 : memref<1x33856xf32, #tpu.memory_space<hbm>> -> memref<33856xf32, #tpu.memory_space<hbm>>
      %dma_wait3A_54 = arith.constant 0 : i32
      %dma_wait3A_55 = tpu.memref_slice %arg2[%arg0, %dma_wait3A_54] : memref<2x33856xf32, #tpu.memory_space<hbm>> -> memref<1x33856xf32, #tpu.memory_space<hbm>>
      %dma_wait3A_56 = tpu.memref_squeeze %dma_wait3A_55 : memref<1x33856xf32, #tpu.memory_space<hbm>> -> memref<33856xf32, #tpu.memory_space<hbm>>
      tpu.wait_dma2 semaphore(%run_scoped3A : memref<!tpu.dma_semaphore, #tpu.memory_space<semaphore_mem>>) src(%dma_wait3A_56 : memref<33856xf32, #tpu.memory_space<hbm>>) dst(%arg5 : memref<33856xf32, #tpu.memory_space<vmem>>)
      tpu.yield
    }) : () -> ()
    "tpu.region"() ({
      %run_scoped3A = tpu.sem_alloc : memref<!tpu.dma_semaphore, #tpu.memory_space<semaphore_mem>>
      tpu.enqueue_dma source(%arg3 : memref<960xf32, #tpu.memory_space<hbm>>) target(%arg6 : memref<960xf32, #tpu.memory_space<vmem>>) target_semaphore(%run_scoped3A : memref<!tpu.dma_semaphore, #tpu.memory_space<semaphore_mem>>)
      tpu.wait_dma2 semaphore(%run_scoped3A : memref<!tpu.dma_semaphore, #tpu.memory_space<semaphore_mem>>) src(%arg3 : memref<960xf32, #tpu.memory_space<hbm>>) dst(%arg6 : memref<960xf32, #tpu.memory_space<vmem>>)
      tpu.yield
    }) : () -> ()
    %broadcast_in_dim3A = arith.constant 0.000000e+00 : f32
    %broadcast_in_dim3A_0 = vector.broadcast %broadcast_in_dim3A : f32 to vector<16xf32>
    %broadcast_in_dim3A_1 = arith.constant 1.000000e+00 : f32
    %broadcast_in_dim3A_2 = vector.broadcast %broadcast_in_dim3A_1 : f32 to vector<16xf32>
    %scan3A = arith.constant 0 : i32
    %scan3A_3 = arith.constant 0 : i32
    %scan3A_4 = arith.constant 577 : i32
    %scan3A_5 = arith.addi %scan3A_3, %scan3A_4 : i32
    %scan3A_6 = arith.constant 1 : i32
    scf.for %scan3A_47 = %scan3A_3 to %scan3A_5 step %scan3A_6  : i32 {
      %mul3A_48 = arith.constant 16 : i32
      %mul3A_49 = arith.muli %scan3A_47, %mul3A_48 : i32
      %swap3A = arith.index_cast %mul3A_49 : i32 to index
      %swap3A_50 = tpu.vector_load %arg7[%swap3A] {strides = array<i32>} : memref<9232xf32, #tpu.memory_space<vmem>>, vector<16xf32>,
      tpu.vector_store %arg7[%swap3A], %broadcast_in_dim3A_0 {strides = array<i32>} : memref<9232xf32, #tpu.memory_space<vmem>>, vector<16xf32>,
    }
    %scan3A_7 = arith.constant 577 : i32
    %iota3A = tpu.iota {dimensions = array<i32: 0>} : vector<16xi32>
    %mul3A = arith.constant 24 : i32
    %mul3A_8 = arith.muli %arg1, %mul3A : i32
    %lt3A = arith.constant 8 : i32
    %lt3A_9 = vector.broadcast %lt3A : i32 to vector<16xi32>
    %lt3A_10 = arith.cmpi slt, %iota3A, %lt3A_9 : vector<16xi32>
    %mul3A_11 = arith.constant 384 : i32
    %mul3A_12 = vector.broadcast %mul3A_11 : i32 to vector<16xi32>
    %mul3A_13 = arith.muli %iota3A, %mul3A_12 : vector<16xi32>
    %add3A = arith.constant 16 : i32
    %add3A_14 = vector.broadcast %add3A : i32 to vector<16xi32>
    %add3A_15 = arith.addi %iota3A, %add3A_14 : vector<16xi32>
    %mul3A_16 = arith.constant 384 : i32
    %mul3A_17 = vector.broadcast %mul3A_16 : i32 to vector<16xi32>
    %mul3A_18 = arith.muli %add3A_15, %mul3A_17 : vector<16xi32>
    %jit3A = arith.constant 0 : i32
    %broadcast_in_dim3A_19 = vector.broadcast %jit3A : i32 to vector<16xi32>
    %select_n3A = arith.select %lt3A_10, %mul3A_18, %broadcast_in_dim3A_19 : vector<16xi1>, vector<16xi32>
    %add3A_20 = vector.broadcast %mul3A_8 : i32 to vector<16xi32>
    %add3A_21 = arith.addi %add3A_20, %iota3A : vector<16xi32>
    %add3A_22 = arith.constant 576 : i32
    %add3A_23 = vector.broadcast %add3A_22 : i32 to vector<16xi32>
    %add3A_24 = arith.addi %add3A_21, %add3A_23 : vector<16xi32>
    %gather3A = arith.constant 0 : i32
    %gather3A_25 = tpu.memref_slice %arg6[%gather3A] : memref<960xf32, #tpu.memory_space<vmem>> -> memref<960xf32, #tpu.memory_space<vmem>>
    %gather3A_26 = tpu.vector_load_idx %gather3A_25[%add3A_24] : memref<960xf32, #tpu.memory_space<vmem>>[vector<16xi32>], vector<16xf32>,
    %add3A_27 = arith.constant 16 : i32
    %add3A_28 = arith.addi %mul3A_8, %add3A_27 : i32
    %add3A_29 = vector.broadcast %add3A_28 : i32 to vector<16xi32>
    %add3A_30 = arith.addi %add3A_29, %iota3A : vector<16xi32>
    %min3A = arith.constant 383 : i32
    %min3A_31 = vector.broadcast %min3A : i32 to vector<16xi32>
    %min3A_32 = arith.minsi %add3A_30, %min3A_31 : vector<16xi32>
    %add3A_33 = arith.constant 576 : i32
    %add3A_34 = vector.broadcast %add3A_33 : i32 to vector<16xi32>
    %add3A_35 = arith.addi %min3A_32, %add3A_34 : vector<16xi32>
    %gather3A_36 = arith.constant 0 : i32
    %gather3A_37 = tpu.memref_slice %arg6[%gather3A_36] : memref<960xf32, #tpu.memory_space<vmem>> -> memref<960xf32, #tpu.memory_space<vmem>>
    %gather3A_38 = tpu.vector_load_idx %gather3A_37[%add3A_35] : memref<960xf32, #tpu.memory_space<vmem>>[vector<16xi32>], vector<16xf32>,
    %scan3A_39 = arith.constant 0 : i32
    %scan3A_40 = arith.constant 0 : i32
    %scan3A_41 = arith.constant 2116 : i32
    %scan3A_42 = arith.addi %scan3A_40, %scan3A_41 : i32
    %scan3A_43 = arith.constant 1 : i32
    scf.for %scan3A_47 = %scan3A_40 to %scan3A_42 step %scan3A_43  : i32 {
      %mul3A_48 = arith.constant 16 : i32
      %mul3A_49 = arith.muli %scan3A_47, %mul3A_48 : i32
      %get3A = arith.index_cast %mul3A_49 : i32 to index
      %get3A_50 = tpu.vector_load %arg5[%get3A] {strides = array<i32>} : memref<33856xf32, #tpu.memory_space<vmem>>, vector<16xf32>,
      %gt3A = arith.constant 0.000000e+00 : f32
      %gt3A_51 = vector.broadcast %gt3A : f32 to vector<16xf32>
      %gt3A_52 = arith.cmpf ogt, %get3A_50, %gt3A_51 : vector<16xf32>
      %jit3A_53 = arith.constant 1 : i32
      %jit3A_54 = arith.constant 0 : i32
      %broadcast_in_dim3A_55 = vector.broadcast %jit3A_53 : i32 to vector<16xi32>
      %broadcast_in_dim3A_56 = vector.broadcast %jit3A_54 : i32 to vector<16xi32>
      %select_n3A_57 = arith.select %gt3A_52, %broadcast_in_dim3A_55, %broadcast_in_dim3A_56 : vector<16xi1>, vector<16xi32>
      %reduce_sum3A = arith.constant true
      %reduce_sum3A_58 = vector.broadcast %reduce_sum3A : i1 to vector<16xi1>
      %reduce_sum3A_59 = tpu.scan <sum>, %select_n3A_57 masked %reduce_sum3A_58 : vector<16xi32>, vector<16xi1> -> vector<16xi32>
      %reduce_sum3A_60 = vector.extract %reduce_sum3A_59[15] : i32 from vector<16xi32>
      %gt3A_61 = arith.constant 0 : i32
      %gt3A_62 = arith.cmpi sgt, %reduce_sum3A_60, %gt3A_61 : i32
      %convert_element_type3A = arith.extui %gt3A_62 : i1 to i32
      %cond3A = arith.constant 0 : i32
      %cond3A_63 = arith.cmpi ne, %convert_element_type3A, %cond3A : i32
      scf.if %cond3A_63 {
        %jit3A_64 = arith.constant 1 : i32
        %jit3A_65 = arith.constant 0 : i32
        %broadcast_in_dim3A_66 = vector.broadcast %jit3A_64 : i32 to vector<16xi32>
        %broadcast_in_dim3A_67 = vector.broadcast %jit3A_65 : i32 to vector<16xi32>
        %select_n3A_68 = arith.select %gt3A_52, %broadcast_in_dim3A_66, %broadcast_in_dim3A_67 : vector<16xi1>, vector<16xi32>
        %while3A = arith.constant 0 : i32
        %while3A_69 = arith.subi %reduce_sum3A_60, %while3A : i32
        %while3A_70 = arith.addi %while3A, %while3A_69 : i32
        %while3A_71 = arith.constant 1 : i32
        %while3A_72 = arith.divsi %while3A_69, %while3A_71 : i32
        %while3A_73 = arith.muli %while3A_72, %while3A_71 : i32
        %while3A_74 = arith.addi %while3A, %while3A_73 : i32
        %while3A_75 = arith.constant 1 : i32
        %while3A_76 = scf.for %while3A_79 = %while3A to %while3A_74 step %while3A_75 iter_args(%while3A_80 = %select_n3A_68) -> (vector<16xi32>)  : i32 {
          %gt3A_81 = arith.constant 0 : i32
          %gt3A_82 = vector.broadcast %gt3A_81 : i32 to vector<16xi32>
          %gt3A_83 = arith.cmpi sgt, %while3A_80, %gt3A_82 : vector<16xi32>
          %jit3A_84 = arith.constant 16 : i32
          %broadcast_in_dim3A_85 = vector.broadcast %jit3A_84 : i32 to vector<16xi32>
          %select_n3A_86 = arith.select %gt3A_83, %iota3A, %broadcast_in_dim3A_85 : vector<16xi1>, vector<16xi32>
          %reduce_min3A = arith.constant true
          %reduce_min3A_87 = vector.broadcast %reduce_min3A : i1 to vector<16xi1>
          %reduce_min3A_88 = arith.constant -2147483648 : i32
          %reduce_min3A_89 = vector.broadcast %reduce_min3A_88 : i32 to vector<16xi32>
          %reduce_min3A_90 = arith.xori %select_n3A_86, %reduce_min3A_89 : vector<16xi32>
          %reduce_min3A_91 = tpu.scan <min>, %reduce_min3A_90 masked %reduce_min3A_87 : vector<16xi32>, vector<16xi1> -> vector<16xi32>
          %reduce_min3A_92 = arith.xori %reduce_min3A_91, %reduce_min3A_89 : vector<16xi32>
          %reduce_min3A_93 = vector.extract %reduce_min3A_92[15] : i32 from vector<16xi32>
          %mul3A_94 = arith.constant 16 : i32
          %mul3A_95 = arith.muli %scan3A_47, %mul3A_94 : i32
          %broadcast_in_dim3A_96 = vector.broadcast %mul3A_95 : i32 to vector<16xi32>
          %add3A_97 = vector.broadcast %reduce_min3A_93 : i32 to vector<16xi32>
          %add3A_98 = arith.addi %broadcast_in_dim3A_96, %add3A_97 : vector<16xi32>
          %convert_element_type3A_99 = arith.sitofp %add3A_98 : vector<16xi32> to vector<16xf32>
          %add3A_100 = arith.constant 5.000000e-01 : f32
          %add3A_101 = vector.broadcast %add3A_100 : f32 to vector<16xf32>
          %add3A_102 = arith.addf %convert_element_type3A_99, %add3A_101 : vector<16xf32>
          %mul3A_103 = arith.constant 0.00543478271 : f32
          %mul3A_104 = vector.broadcast %mul3A_103 : f32 to vector<16xf32>
          %mul3A_105 = arith.mulf %add3A_102, %mul3A_104 : vector<16xf32>
          %convert_element_type3A_106 = arith.fptosi %mul3A_105 : vector<16xf32> to vector<16xi32>
          %mul3A_107 = arith.constant 184 : i32
          %mul3A_108 = vector.broadcast %mul3A_107 : i32 to vector<16xi32>
          %mul3A_109 = arith.muli %convert_element_type3A_106, %mul3A_108 : vector<16xi32>
          %sub3A = arith.subi %add3A_98, %mul3A_109 : vector<16xi32>
          %gather3A_110 = arith.constant 0 : i32
          %gather3A_111 = tpu.memref_slice %arg6[%gather3A_110] : memref<960xf32, #tpu.memory_space<vmem>> -> memref<960xf32, #tpu.memory_space<vmem>>
          %gather3A_112 = tpu.vector_load_idx %gather3A_111[%convert_element_type3A_106] : memref<960xf32, #tpu.memory_space<vmem>>[vector<16xi32>], vector<16xf32>,
          %add3A_113 = arith.constant 192 : i32
          %add3A_114 = vector.broadcast %add3A_113 : i32 to vector<16xi32>
          %add3A_115 = arith.addi %convert_element_type3A_106, %add3A_114 : vector<16xi32>
          %gather3A_116 = arith.constant 0 : i32
          %gather3A_117 = tpu.memref_slice %arg6[%gather3A_116] : memref<960xf32, #tpu.memory_space<vmem>> -> memref<960xf32, #tpu.memory_space<vmem>>
          %gather3A_118 = tpu.vector_load_idx %gather3A_117[%add3A_115] : memref<960xf32, #tpu.memory_space<vmem>>[vector<16xi32>], vector<16xf32>,
          %add3A_119 = arith.constant 384 : i32
          %add3A_120 = vector.broadcast %add3A_119 : i32 to vector<16xi32>
          %add3A_121 = arith.addi %sub3A, %add3A_120 : vector<16xi32>
          %gather3A_122 = arith.constant 0 : i32
          %gather3A_123 = tpu.memref_slice %arg6[%gather3A_122] : memref<960xf32, #tpu.memory_space<vmem>> -> memref<960xf32, #tpu.memory_space<vmem>>
          %gather3A_124 = tpu.vector_load_idx %gather3A_123[%add3A_121] : memref<960xf32, #tpu.memory_space<vmem>>[vector<16xi32>], vector<16xf32>,
          %div3A = arith.constant 1.000000e+00 : f32
          %div3A_125 = vector.broadcast %div3A : f32 to vector<16xf32>
          %div3A_126 = arith.divf %div3A_125, %gather3A_112 : vector<16xf32>
          %abs3A = math.absf %div3A_126 : vector<16xf32>
          %mul3A_127 = arith.constant 3.000000e+00 : f32
          %mul3A_128 = vector.broadcast %mul3A_127 : f32 to vector<16xf32>
          %mul3A_129 = arith.mulf %mul3A_128, %abs3A : vector<16xf32>
          %mul3A_130 = arith.constant 2.000000e-04 : f32
          %mul3A_131 = vector.broadcast %mul3A_130 : f32 to vector<16xf32>
          %mul3A_132 = arith.mulf %mul3A_131, %mul3A_129 : vector<16xf32>
          %add3A_133 = arith.constant 2.500000e+00 : f32
          %add3A_134 = vector.broadcast %add3A_133 : f32 to vector<16xf32>
          %add3A_135 = arith.addf %add3A_134, %mul3A_132 : vector<16xf32>
          %mul3A_136 = arith.mulf %gather3A_118, %gather3A_26 : vector<16xf32>
          %sub3A_137 = arith.subf %gather3A_124, %mul3A_136 : vector<16xf32>
          %mul3A_138 = arith.mulf %sub3A_137, %div3A_126 : vector<16xf32>
          %add3A_139 = arith.constant 1.915000e+02 : f32
          %add3A_140 = vector.broadcast %add3A_139 : f32 to vector<16xf32>
          %add3A_141 = arith.addf %mul3A_138, %add3A_140 : vector<16xf32>
          %sub3A_142 = arith.subf %add3A_141, %mul3A_129 : vector<16xf32>
          %sub3A_143 = arith.subf %sub3A_142, %add3A_135 : vector<16xf32>
          %jit3A_144 = arith.constant 0.000000e+00 : f32
          %jit3A_145 = arith.constant 3.840000e+02 : f32
          %max3A = vector.broadcast %jit3A_144 : f32 to vector<16xf32>
          %max3A_146 = arith.maximumf %max3A, %sub3A_143 : vector<16xf32>
          %min3A_147 = vector.broadcast %jit3A_145 : f32 to vector<16xf32>
          %min3A_148 = arith.minimumf %min3A_147, %max3A_146 : vector<16xf32>
          %add3A_149 = arith.addf %add3A_141, %mul3A_129 : vector<16xf32>
          %add3A_150 = arith.addf %add3A_149, %add3A_135 : vector<16xf32>
          %jit3A_151 = arith.constant 0.000000e+00 : f32
          %jit3A_152 = arith.constant 3.840000e+02 : f32
          %max3A_153 = vector.broadcast %jit3A_151 : f32 to vector<16xf32>
          %max3A_154 = arith.maximumf %max3A_153, %add3A_150 : vector<16xf32>
          %min3A_155 = vector.broadcast %jit3A_152 : f32 to vector<16xf32>
          %min3A_156 = arith.minimumf %min3A_155, %max3A_154 : vector<16xf32>
          %convert_element_type3A_157 = arith.fptosi %min3A_148 : vector<16xf32> to vector<16xi32>
          %sub3A_158 = arith.constant 1 : i32
          %sub3A_159 = vector.broadcast %sub3A_158 : i32 to vector<16xi32>
          %sub3A_160 = arith.subi %convert_element_type3A_157, %sub3A_159 : vector<16xi32>
          %max3A_161 = arith.constant 0 : i32
          %max3A_162 = vector.broadcast %max3A_161 : i32 to vector<16xi32>
          %max3A_163 = arith.maxsi %sub3A_160, %max3A_162 : vector<16xi32>
          %convert_element_type3A_164 = arith.fptosi %min3A_156 : vector<16xf32> to vector<16xi32>
          %sub3A_165 = arith.subi %convert_element_type3A_164, %max3A_163 : vector<16xi32>
          %add3A_166 = arith.constant 2 : i32
          %add3A_167 = vector.broadcast %add3A_166 : i32 to vector<16xi32>
          %add3A_168 = arith.addi %sub3A_165, %add3A_167 : vector<16xi32>
          %reduce_max3A = arith.constant true
          %reduce_max3A_169 = vector.broadcast %reduce_max3A : i1 to vector<16xi1>
          %reduce_max3A_170 = arith.constant -2147483648 : i32
          %reduce_max3A_171 = vector.broadcast %reduce_max3A_170 : i32 to vector<16xi32>
          %reduce_max3A_172 = arith.xori %add3A_168, %reduce_max3A_171 : vector<16xi32>
          %reduce_max3A_173 = tpu.scan <max>, %reduce_max3A_172 masked %reduce_max3A_169 : vector<16xi32>, vector<16xi1> -> vector<16xi32>
          %reduce_max3A_174 = arith.xori %reduce_max3A_173, %reduce_max3A_171 : vector<16xi32>
          %reduce_max3A_175 = vector.extract %reduce_max3A_174[15] : i32 from vector<16xi32>
          %while3A_176 = arith.constant 0 : i32
          %while3A_177 = arith.constant 0 : i32
          %while3A_178 = arith.subi %reduce_max3A_175, %while3A_177 : i32
          %while3A_179 = arith.addi %while3A_177, %while3A_178 : i32
          %while3A_180 = arith.constant 1 : i32
          %while3A_181 = arith.divsi %while3A_178, %while3A_180 : i32
          %while3A_182 = arith.muli %while3A_181, %while3A_180 : i32
          %while3A_183 = arith.addi %while3A_177, %while3A_182 : i32
          %while3A_184 = arith.constant 1 : i32
          scf.for %while3A_245 = %while3A_177 to %while3A_183 step %while3A_184  : i32 {
            %add3A_246 = vector.broadcast %while3A_245 : i32 to vector<16xi32>
            %add3A_247 = arith.addi %max3A_163, %add3A_246 : vector<16xi32>
            %lt3A_248 = arith.constant 384 : i32
            %lt3A_249 = vector.broadcast %lt3A_248 : i32 to vector<16xi32>
            %lt3A_250 = arith.cmpi slt, %add3A_247, %lt3A_249 : vector<16xi32>
            %jit3A_251 = arith.constant 0 : i32
            %broadcast_in_dim3A_252 = vector.broadcast %jit3A_251 : i32 to vector<16xi32>
            %select_n3A_253 = arith.select %lt3A_250, %add3A_247, %broadcast_in_dim3A_252 : vector<16xi1>, vector<16xi32>
            %add3A_254 = arith.constant 576 : i32
            %add3A_255 = vector.broadcast %add3A_254 : i32 to vector<16xi32>
            %add3A_256 = arith.addi %select_n3A_253, %add3A_255 : vector<16xi32>
            %gather3A_257 = arith.constant 0 : i32
            %gather3A_258 = tpu.memref_slice %arg6[%gather3A_257] : memref<960xf32, #tpu.memory_space<vmem>> -> memref<960xf32, #tpu.memory_space<vmem>>
            %gather3A_259 = tpu.vector_load_idx %gather3A_258[%add3A_256] : memref<960xf32, #tpu.memory_space<vmem>>[vector<16xi32>], vector<16xf32>,
            %mul3A_260 = arith.mulf %gather3A_112, %gather3A_259 : vector<16xf32>
            %mul3A_261 = arith.mulf %gather3A_118, %gather3A_26 : vector<16xf32>
            %add3A_262 = arith.addf %mul3A_260, %mul3A_261 : vector<16xf32>
            %sub3A_263 = arith.subf %add3A_262, %gather3A_124 : vector<16xf32>
            %abs3A_264 = math.absf %sub3A_263 : vector<16xf32>
            %lt3A_265 = arith.constant 3.000000e+00 : f32
            %lt3A_266 = vector.broadcast %lt3A_265 : f32 to vector<16xf32>
            %lt3A_267 = arith.cmpf olt, %abs3A_264, %lt3A_266 : vector<16xf32>
            %lt3A_268 = arith.constant 384 : i32
            %lt3A_269 = vector.broadcast %lt3A_268 : i32 to vector<16xi32>
            %lt3A_270 = arith.cmpi slt, %add3A_247, %lt3A_269 : vector<16xi32>
            %and3A = arith.andi %lt3A_267, %lt3A_270 : vector<16xi1>
            %add3A_271 = arith.addi %mul3A_13, %select_n3A_253 : vector<16xi32>
            %add3A_272 = arith.constant 9216 : i32
            %add3A_273 = vector.broadcast %add3A_272 : i32 to vector<16xi32>
            %add3A_274 = arith.addi %add3A_273, %iota3A : vector<16xi32>
            %select_n3A_275 = arith.select %and3A, %add3A_271, %add3A_274 : vector<16xi1>, vector<16xi32>
            %scatter3A = arith.constant 0 : i32
            %scatter3A_276 = tpu.memref_slice %arg7[%scatter3A] : memref<9232xf32, #tpu.memory_space<vmem>> -> memref<9232xf32, #tpu.memory_space<vmem>>
            tpu.vector_store_idx %scatter3A_276[%select_n3A_275], %broadcast_in_dim3A_2 : memref<9232xf32, #tpu.memory_space<vmem>>[vector<16xi32>], vector<16xf32>,
          }
          %while3A_185 = arith.constant 1 : i32
          scf.for %while3A_245 = %while3A_183 to %while3A_179 step %while3A_185  : i32 {
            %add3A_246 = vector.broadcast %while3A_245 : i32 to vector<16xi32>
            %add3A_247 = arith.addi %max3A_163, %add3A_246 : vector<16xi32>
            %lt3A_248 = arith.constant 384 : i32
            %lt3A_249 = vector.broadcast %lt3A_248 : i32 to vector<16xi32>
            %lt3A_250 = arith.cmpi slt, %add3A_247, %lt3A_249 : vector<16xi32>
            %jit3A_251 = arith.constant 0 : i32
            %broadcast_in_dim3A_252 = vector.broadcast %jit3A_251 : i32 to vector<16xi32>
            %select_n3A_253 = arith.select %lt3A_250, %add3A_247, %broadcast_in_dim3A_252 : vector<16xi1>, vector<16xi32>
            %add3A_254 = arith.constant 576 : i32
            %add3A_255 = vector.broadcast %add3A_254 : i32 to vector<16xi32>
            %add3A_256 = arith.addi %select_n3A_253, %add3A_255 : vector<16xi32>
            %gather3A_257 = arith.constant 0 : i32
            %gather3A_258 = tpu.memref_slice %arg6[%gather3A_257] : memref<960xf32, #tpu.memory_space<vmem>> -> memref<960xf32, #tpu.memory_space<vmem>>
            %gather3A_259 = tpu.vector_load_idx %gather3A_258[%add3A_256] : memref<960xf32, #tpu.memory_space<vmem>>[vector<16xi32>], vector<16xf32>,
            %mul3A_260 = arith.mulf %gather3A_112, %gather3A_259 : vector<16xf32>
            %mul3A_261 = arith.mulf %gather3A_118, %gather3A_26 : vector<16xf32>
            %add3A_262 = arith.addf %mul3A_260, %mul3A_261 : vector<16xf32>
            %sub3A_263 = arith.subf %add3A_262, %gather3A_124 : vector<16xf32>
            %abs3A_264 = math.absf %sub3A_263 : vector<16xf32>
            %lt3A_265 = arith.constant 3.000000e+00 : f32
            %lt3A_266 = vector.broadcast %lt3A_265 : f32 to vector<16xf32>
            %lt3A_267 = arith.cmpf olt, %abs3A_264, %lt3A_266 : vector<16xf32>
            %lt3A_268 = arith.constant 384 : i32
            %lt3A_269 = vector.broadcast %lt3A_268 : i32 to vector<16xi32>
            %lt3A_270 = arith.cmpi slt, %add3A_247, %lt3A_269 : vector<16xi32>
            %and3A = arith.andi %lt3A_267, %lt3A_270 : vector<16xi1>
            %add3A_271 = arith.addi %mul3A_13, %select_n3A_253 : vector<16xi32>
            %add3A_272 = arith.constant 9216 : i32
            %add3A_273 = vector.broadcast %add3A_272 : i32 to vector<16xi32>
            %add3A_274 = arith.addi %add3A_273, %iota3A : vector<16xi32>
            %select_n3A_275 = arith.select %and3A, %add3A_271, %add3A_274 : vector<16xi1>, vector<16xi32>
            %scatter3A = arith.constant 0 : i32
            %scatter3A_276 = tpu.memref_slice %arg7[%scatter3A] : memref<9232xf32, #tpu.memory_space<vmem>> -> memref<9232xf32, #tpu.memory_space<vmem>>
            tpu.vector_store_idx %scatter3A_276[%select_n3A_275], %broadcast_in_dim3A_2 : memref<9232xf32, #tpu.memory_space<vmem>>[vector<16xi32>], vector<16xf32>,
          }
          %mul3A_186 = arith.mulf %gather3A_118, %gather3A_38 : vector<16xf32>
          %sub3A_187 = arith.subf %gather3A_124, %mul3A_186 : vector<16xf32>
          %mul3A_188 = arith.mulf %sub3A_187, %div3A_126 : vector<16xf32>
          %add3A_189 = arith.constant 1.915000e+02 : f32
          %add3A_190 = vector.broadcast %add3A_189 : f32 to vector<16xf32>
          %add3A_191 = arith.addf %mul3A_188, %add3A_190 : vector<16xf32>
          %sub3A_192 = arith.subf %add3A_191, %mul3A_129 : vector<16xf32>
          %sub3A_193 = arith.subf %sub3A_192, %add3A_135 : vector<16xf32>
          %jit3A_194 = arith.constant 0.000000e+00 : f32
          %jit3A_195 = arith.constant 3.840000e+02 : f32
          %max3A_196 = vector.broadcast %jit3A_194 : f32 to vector<16xf32>
          %max3A_197 = arith.maximumf %max3A_196, %sub3A_193 : vector<16xf32>
          %min3A_198 = vector.broadcast %jit3A_195 : f32 to vector<16xf32>
          %min3A_199 = arith.minimumf %min3A_198, %max3A_197 : vector<16xf32>
          %add3A_200 = arith.addf %add3A_191, %mul3A_129 : vector<16xf32>
          %add3A_201 = arith.addf %add3A_200, %add3A_135 : vector<16xf32>
          %jit3A_202 = arith.constant 0.000000e+00 : f32
          %jit3A_203 = arith.constant 3.840000e+02 : f32
          %max3A_204 = vector.broadcast %jit3A_202 : f32 to vector<16xf32>
          %max3A_205 = arith.maximumf %max3A_204, %add3A_201 : vector<16xf32>
          %min3A_206 = vector.broadcast %jit3A_203 : f32 to vector<16xf32>
          %min3A_207 = arith.minimumf %min3A_206, %max3A_205 : vector<16xf32>
          %convert_element_type3A_208 = arith.fptosi %min3A_199 : vector<16xf32> to vector<16xi32>
          %sub3A_209 = arith.constant 1 : i32
          %sub3A_210 = vector.broadcast %sub3A_209 : i32 to vector<16xi32>
          %sub3A_211 = arith.subi %convert_element_type3A_208, %sub3A_210 : vector<16xi32>
          %max3A_212 = arith.constant 0 : i32
          %max3A_213 = vector.broadcast %max3A_212 : i32 to vector<16xi32>
          %max3A_214 = arith.maxsi %sub3A_211, %max3A_213 : vector<16xi32>
          %convert_element_type3A_215 = arith.fptosi %min3A_207 : vector<16xf32> to vector<16xi32>
          %sub3A_216 = arith.subi %convert_element_type3A_215, %max3A_214 : vector<16xi32>
          %add3A_217 = arith.constant 2 : i32
          %add3A_218 = vector.broadcast %add3A_217 : i32 to vector<16xi32>
          %add3A_219 = arith.addi %sub3A_216, %add3A_218 : vector<16xi32>
          %jit3A_220 = arith.constant 0 : i32
          %broadcast_in_dim3A_221 = vector.broadcast %jit3A_220 : i32 to vector<16xi32>
          %select_n3A_222 = arith.select %lt3A_10, %add3A_219, %broadcast_in_dim3A_221 : vector<16xi1>, vector<16xi32>
          %reduce_max3A_223 = arith.constant true
          %reduce_max3A_224 = vector.broadcast %reduce_max3A_223 : i1 to vector<16xi1>
          %reduce_max3A_225 = arith.constant -2147483648 : i32
          %reduce_max3A_226 = vector.broadcast %reduce_max3A_225 : i32 to vector<16xi32>
          %reduce_max3A_227 = arith.xori %select_n3A_222, %reduce_max3A_226 : vector<16xi32>
          %reduce_max3A_228 = tpu.scan <max>, %reduce_max3A_227 masked %reduce_max3A_224 : vector<16xi32>, vector<16xi1> -> vector<16xi32>
          %reduce_max3A_229 = arith.xori %reduce_max3A_228, %reduce_max3A_226 : vector<16xi32>
          %reduce_max3A_230 = vector.extract %reduce_max3A_229[15] : i32 from vector<16xi32>
          %while3A_231 = arith.constant 0 : i32
          %while3A_232 = arith.constant 0 : i32
          %while3A_233 = arith.subi %reduce_max3A_230, %while3A_232 : i32
          %while3A_234 = arith.addi %while3A_232, %while3A_233 : i32
          %while3A_235 = arith.constant 1 : i32
          %while3A_236 = arith.divsi %while3A_233, %while3A_235 : i32
          %while3A_237 = arith.muli %while3A_236, %while3A_235 : i32
          %while3A_238 = arith.addi %while3A_232, %while3A_237 : i32
          %while3A_239 = arith.constant 1 : i32
          scf.for %while3A_245 = %while3A_232 to %while3A_238 step %while3A_239  : i32 {
            %add3A_246 = vector.broadcast %while3A_245 : i32 to vector<16xi32>
            %add3A_247 = arith.addi %max3A_214, %add3A_246 : vector<16xi32>
            %lt3A_248 = arith.constant 384 : i32
            %lt3A_249 = vector.broadcast %lt3A_248 : i32 to vector<16xi32>
            %lt3A_250 = arith.cmpi slt, %add3A_247, %lt3A_249 : vector<16xi32>
            %jit3A_251 = arith.constant 0 : i32
            %broadcast_in_dim3A_252 = vector.broadcast %jit3A_251 : i32 to vector<16xi32>
            %select_n3A_253 = arith.select %lt3A_250, %add3A_247, %broadcast_in_dim3A_252 : vector<16xi1>, vector<16xi32>
            %add3A_254 = arith.constant 576 : i32
            %add3A_255 = vector.broadcast %add3A_254 : i32 to vector<16xi32>
            %add3A_256 = arith.addi %select_n3A_253, %add3A_255 : vector<16xi32>
            %gather3A_257 = arith.constant 0 : i32
            %gather3A_258 = tpu.memref_slice %arg6[%gather3A_257] : memref<960xf32, #tpu.memory_space<vmem>> -> memref<960xf32, #tpu.memory_space<vmem>>
            %gather3A_259 = tpu.vector_load_idx %gather3A_258[%add3A_256] : memref<960xf32, #tpu.memory_space<vmem>>[vector<16xi32>], vector<16xf32>,
            %mul3A_260 = arith.mulf %gather3A_112, %gather3A_259 : vector<16xf32>
            %mul3A_261 = arith.mulf %gather3A_118, %gather3A_38 : vector<16xf32>
            %add3A_262 = arith.addf %mul3A_260, %mul3A_261 : vector<16xf32>
            %sub3A_263 = arith.subf %add3A_262, %gather3A_124 : vector<16xf32>
            %abs3A_264 = math.absf %sub3A_263 : vector<16xf32>
            %lt3A_265 = arith.constant 3.000000e+00 : f32
            %lt3A_266 = vector.broadcast %lt3A_265 : f32 to vector<16xf32>
            %lt3A_267 = arith.cmpf olt, %abs3A_264, %lt3A_266 : vector<16xf32>
            %lt3A_268 = arith.constant 384 : i32
            %lt3A_269 = vector.broadcast %lt3A_268 : i32 to vector<16xi32>
            %lt3A_270 = arith.cmpi slt, %add3A_247, %lt3A_269 : vector<16xi32>
            %and3A = arith.andi %lt3A_267, %lt3A_270 : vector<16xi1>
            %and3A_271 = arith.andi %and3A, %lt3A_10 : vector<16xi1>
            %add3A_272 = arith.addi %select_n3A, %select_n3A_253 : vector<16xi32>
            %add3A_273 = arith.constant 9216 : i32
            %add3A_274 = vector.broadcast %add3A_273 : i32 to vector<16xi32>
            %add3A_275 = arith.addi %add3A_274, %iota3A : vector<16xi32>
            %select_n3A_276 = arith.select %and3A_271, %add3A_272, %add3A_275 : vector<16xi1>, vector<16xi32>
            %scatter3A = arith.constant 0 : i32
            %scatter3A_277 = tpu.memref_slice %arg7[%scatter3A] : memref<9232xf32, #tpu.memory_space<vmem>> -> memref<9232xf32, #tpu.memory_space<vmem>>
            tpu.vector_store_idx %scatter3A_277[%select_n3A_276], %broadcast_in_dim3A_2 : memref<9232xf32, #tpu.memory_space<vmem>>[vector<16xi32>], vector<16xf32>,
          }
          %while3A_240 = arith.constant 1 : i32
          scf.for %while3A_245 = %while3A_238 to %while3A_234 step %while3A_240  : i32 {
            %add3A_246 = vector.broadcast %while3A_245 : i32 to vector<16xi32>
            %add3A_247 = arith.addi %max3A_214, %add3A_246 : vector<16xi32>
            %lt3A_248 = arith.constant 384 : i32
            %lt3A_249 = vector.broadcast %lt3A_248 : i32 to vector<16xi32>
            %lt3A_250 = arith.cmpi slt, %add3A_247, %lt3A_249 : vector<16xi32>
            %jit3A_251 = arith.constant 0 : i32
            %broadcast_in_dim3A_252 = vector.broadcast %jit3A_251 : i32 to vector<16xi32>
            %select_n3A_253 = arith.select %lt3A_250, %add3A_247, %broadcast_in_dim3A_252 : vector<16xi1>, vector<16xi32>
            %add3A_254 = arith.constant 576 : i32
            %add3A_255 = vector.broadcast %add3A_254 : i32 to vector<16xi32>
            %add3A_256 = arith.addi %select_n3A_253, %add3A_255 : vector<16xi32>
            %gather3A_257 = arith.constant 0 : i32
            %gather3A_258 = tpu.memref_slice %arg6[%gather3A_257] : memref<960xf32, #tpu.memory_space<vmem>> -> memref<960xf32, #tpu.memory_space<vmem>>
            %gather3A_259 = tpu.vector_load_idx %gather3A_258[%add3A_256] : memref<960xf32, #tpu.memory_space<vmem>>[vector<16xi32>], vector<16xf32>,
            %mul3A_260 = arith.mulf %gather3A_112, %gather3A_259 : vector<16xf32>
            %mul3A_261 = arith.mulf %gather3A_118, %gather3A_38 : vector<16xf32>
            %add3A_262 = arith.addf %mul3A_260, %mul3A_261 : vector<16xf32>
            %sub3A_263 = arith.subf %add3A_262, %gather3A_124 : vector<16xf32>
            %abs3A_264 = math.absf %sub3A_263 : vector<16xf32>
            %lt3A_265 = arith.constant 3.000000e+00 : f32
            %lt3A_266 = vector.broadcast %lt3A_265 : f32 to vector<16xf32>
            %lt3A_267 = arith.cmpf olt, %abs3A_264, %lt3A_266 : vector<16xf32>
            %lt3A_268 = arith.constant 384 : i32
            %lt3A_269 = vector.broadcast %lt3A_268 : i32 to vector<16xi32>
            %lt3A_270 = arith.cmpi slt, %add3A_247, %lt3A_269 : vector<16xi32>
            %and3A = arith.andi %lt3A_267, %lt3A_270 : vector<16xi1>
            %and3A_271 = arith.andi %and3A, %lt3A_10 : vector<16xi1>
            %add3A_272 = arith.addi %select_n3A, %select_n3A_253 : vector<16xi32>
            %add3A_273 = arith.constant 9216 : i32
            %add3A_274 = vector.broadcast %add3A_273 : i32 to vector<16xi32>
            %add3A_275 = arith.addi %add3A_274, %iota3A : vector<16xi32>
            %select_n3A_276 = arith.select %and3A_271, %add3A_272, %add3A_275 : vector<16xi1>, vector<16xi32>
            %scatter3A = arith.constant 0 : i32
            %scatter3A_277 = tpu.memref_slice %arg7[%scatter3A] : memref<9232xf32, #tpu.memory_space<vmem>> -> memref<9232xf32, #tpu.memory_space<vmem>>
            tpu.vector_store_idx %scatter3A_277[%select_n3A_276], %broadcast_in_dim3A_2 : memref<9232xf32, #tpu.memory_space<vmem>>[vector<16xi32>], vector<16xf32>,
          }
          %eq3A = vector.broadcast %reduce_min3A_93 : i32 to vector<16xi32>
          %eq3A_241 = arith.cmpi eq, %iota3A, %eq3A : vector<16xi32>
          %jit3A_242 = arith.constant 0 : i32
          %broadcast_in_dim3A_243 = vector.broadcast %jit3A_242 : i32 to vector<16xi32>
          %select_n3A_244 = arith.select %eq3A_241, %broadcast_in_dim3A_243, %while3A_80 : vector<16xi1>, vector<16xi32>
          scf.yield %select_n3A_244 : vector<16xi32>
        }
        %while3A_77 = arith.constant 1 : i32
        %while3A_78 = scf.for %while3A_79 = %while3A_74 to %while3A_70 step %while3A_77 iter_args(%while3A_80 = %while3A_76) -> (vector<16xi32>)  : i32 {
          %gt3A_81 = arith.constant 0 : i32
          %gt3A_82 = vector.broadcast %gt3A_81 : i32 to vector<16xi32>
          %gt3A_83 = arith.cmpi sgt, %while3A_80, %gt3A_82 : vector<16xi32>
          %jit3A_84 = arith.constant 16 : i32
          %broadcast_in_dim3A_85 = vector.broadcast %jit3A_84 : i32 to vector<16xi32>
          %select_n3A_86 = arith.select %gt3A_83, %iota3A, %broadcast_in_dim3A_85 : vector<16xi1>, vector<16xi32>
          %reduce_min3A = arith.constant true
          %reduce_min3A_87 = vector.broadcast %reduce_min3A : i1 to vector<16xi1>
          %reduce_min3A_88 = arith.constant -2147483648 : i32
          %reduce_min3A_89 = vector.broadcast %reduce_min3A_88 : i32 to vector<16xi32>
          %reduce_min3A_90 = arith.xori %select_n3A_86, %reduce_min3A_89 : vector<16xi32>
          %reduce_min3A_91 = tpu.scan <min>, %reduce_min3A_90 masked %reduce_min3A_87 : vector<16xi32>, vector<16xi1> -> vector<16xi32>
          %reduce_min3A_92 = arith.xori %reduce_min3A_91, %reduce_min3A_89 : vector<16xi32>
          %reduce_min3A_93 = vector.extract %reduce_min3A_92[15] : i32 from vector<16xi32>
          %mul3A_94 = arith.constant 16 : i32
          %mul3A_95 = arith.muli %scan3A_47, %mul3A_94 : i32
          %broadcast_in_dim3A_96 = vector.broadcast %mul3A_95 : i32 to vector<16xi32>
          %add3A_97 = vector.broadcast %reduce_min3A_93 : i32 to vector<16xi32>
          %add3A_98 = arith.addi %broadcast_in_dim3A_96, %add3A_97 : vector<16xi32>
          %convert_element_type3A_99 = arith.sitofp %add3A_98 : vector<16xi32> to vector<16xf32>
          %add3A_100 = arith.constant 5.000000e-01 : f32
          %add3A_101 = vector.broadcast %add3A_100 : f32 to vector<16xf32>
          %add3A_102 = arith.addf %convert_element_type3A_99, %add3A_101 : vector<16xf32>
          %mul3A_103 = arith.constant 0.00543478271 : f32
          %mul3A_104 = vector.broadcast %mul3A_103 : f32 to vector<16xf32>
          %mul3A_105 = arith.mulf %add3A_102, %mul3A_104 : vector<16xf32>
          %convert_element_type3A_106 = arith.fptosi %mul3A_105 : vector<16xf32> to vector<16xi32>
          %mul3A_107 = arith.constant 184 : i32
          %mul3A_108 = vector.broadcast %mul3A_107 : i32 to vector<16xi32>
          %mul3A_109 = arith.muli %convert_element_type3A_106, %mul3A_108 : vector<16xi32>
          %sub3A = arith.subi %add3A_98, %mul3A_109 : vector<16xi32>
          %gather3A_110 = arith.constant 0 : i32
          %gather3A_111 = tpu.memref_slice %arg6[%gather3A_110] : memref<960xf32, #tpu.memory_space<vmem>> -> memref<960xf32, #tpu.memory_space<vmem>>
          %gather3A_112 = tpu.vector_load_idx %gather3A_111[%convert_element_type3A_106] : memref<960xf32, #tpu.memory_space<vmem>>[vector<16xi32>], vector<16xf32>,
          %add3A_113 = arith.constant 192 : i32
          %add3A_114 = vector.broadcast %add3A_113 : i32 to vector<16xi32>
          %add3A_115 = arith.addi %convert_element_type3A_106, %add3A_114 : vector<16xi32>
          %gather3A_116 = arith.constant 0 : i32
          %gather3A_117 = tpu.memref_slice %arg6[%gather3A_116] : memref<960xf32, #tpu.memory_space<vmem>> -> memref<960xf32, #tpu.memory_space<vmem>>
          %gather3A_118 = tpu.vector_load_idx %gather3A_117[%add3A_115] : memref<960xf32, #tpu.memory_space<vmem>>[vector<16xi32>], vector<16xf32>,
          %add3A_119 = arith.constant 384 : i32
          %add3A_120 = vector.broadcast %add3A_119 : i32 to vector<16xi32>
          %add3A_121 = arith.addi %sub3A, %add3A_120 : vector<16xi32>
          %gather3A_122 = arith.constant 0 : i32
          %gather3A_123 = tpu.memref_slice %arg6[%gather3A_122] : memref<960xf32, #tpu.memory_space<vmem>> -> memref<960xf32, #tpu.memory_space<vmem>>
          %gather3A_124 = tpu.vector_load_idx %gather3A_123[%add3A_121] : memref<960xf32, #tpu.memory_space<vmem>>[vector<16xi32>], vector<16xf32>,
          %div3A = arith.constant 1.000000e+00 : f32
          %div3A_125 = vector.broadcast %div3A : f32 to vector<16xf32>
          %div3A_126 = arith.divf %div3A_125, %gather3A_112 : vector<16xf32>
          %abs3A = math.absf %div3A_126 : vector<16xf32>
          %mul3A_127 = arith.constant 3.000000e+00 : f32
          %mul3A_128 = vector.broadcast %mul3A_127 : f32 to vector<16xf32>
          %mul3A_129 = arith.mulf %mul3A_128, %abs3A : vector<16xf32>
          %mul3A_130 = arith.constant 2.000000e-04 : f32
          %mul3A_131 = vector.broadcast %mul3A_130 : f32 to vector<16xf32>
          %mul3A_132 = arith.mulf %mul3A_131, %mul3A_129 : vector<16xf32>
          %add3A_133 = arith.constant 2.500000e+00 : f32
          %add3A_134 = vector.broadcast %add3A_133 : f32 to vector<16xf32>
          %add3A_135 = arith.addf %add3A_134, %mul3A_132 : vector<16xf32>
          %mul3A_136 = arith.mulf %gather3A_118, %gather3A_26 : vector<16xf32>
          %sub3A_137 = arith.subf %gather3A_124, %mul3A_136 : vector<16xf32>
          %mul3A_138 = arith.mulf %sub3A_137, %div3A_126 : vector<16xf32>
          %add3A_139 = arith.constant 1.915000e+02 : f32
          %add3A_140 = vector.broadcast %add3A_139 : f32 to vector<16xf32>
          %add3A_141 = arith.addf %mul3A_138, %add3A_140 : vector<16xf32>
          %sub3A_142 = arith.subf %add3A_141, %mul3A_129 : vector<16xf32>
          %sub3A_143 = arith.subf %sub3A_142, %add3A_135 : vector<16xf32>
          %jit3A_144 = arith.constant 0.000000e+00 : f32
          %jit3A_145 = arith.constant 3.840000e+02 : f32
          %max3A = vector.broadcast %jit3A_144 : f32 to vector<16xf32>
          %max3A_146 = arith.maximumf %max3A, %sub3A_143 : vector<16xf32>
          %min3A_147 = vector.broadcast %jit3A_145 : f32 to vector<16xf32>
          %min3A_148 = arith.minimumf %min3A_147, %max3A_146 : vector<16xf32>
          %add3A_149 = arith.addf %add3A_141, %mul3A_129 : vector<16xf32>
          %add3A_150 = arith.addf %add3A_149, %add3A_135 : vector<16xf32>
          %jit3A_151 = arith.constant 0.000000e+00 : f32
          %jit3A_152 = arith.constant 3.840000e+02 : f32
          %max3A_153 = vector.broadcast %jit3A_151 : f32 to vector<16xf32>
          %max3A_154 = arith.maximumf %max3A_153, %add3A_150 : vector<16xf32>
          %min3A_155 = vector.broadcast %jit3A_152 : f32 to vector<16xf32>
          %min3A_156 = arith.minimumf %min3A_155, %max3A_154 : vector<16xf32>
          %convert_element_type3A_157 = arith.fptosi %min3A_148 : vector<16xf32> to vector<16xi32>
          %sub3A_158 = arith.constant 1 : i32
          %sub3A_159 = vector.broadcast %sub3A_158 : i32 to vector<16xi32>
          %sub3A_160 = arith.subi %convert_element_type3A_157, %sub3A_159 : vector<16xi32>
          %max3A_161 = arith.constant 0 : i32
          %max3A_162 = vector.broadcast %max3A_161 : i32 to vector<16xi32>
          %max3A_163 = arith.maxsi %sub3A_160, %max3A_162 : vector<16xi32>
          %convert_element_type3A_164 = arith.fptosi %min3A_156 : vector<16xf32> to vector<16xi32>
          %sub3A_165 = arith.subi %convert_element_type3A_164, %max3A_163 : vector<16xi32>
          %add3A_166 = arith.constant 2 : i32
          %add3A_167 = vector.broadcast %add3A_166 : i32 to vector<16xi32>
          %add3A_168 = arith.addi %sub3A_165, %add3A_167 : vector<16xi32>
          %reduce_max3A = arith.constant true
          %reduce_max3A_169 = vector.broadcast %reduce_max3A : i1 to vector<16xi1>
          %reduce_max3A_170 = arith.constant -2147483648 : i32
          %reduce_max3A_171 = vector.broadcast %reduce_max3A_170 : i32 to vector<16xi32>
          %reduce_max3A_172 = arith.xori %add3A_168, %reduce_max3A_171 : vector<16xi32>
          %reduce_max3A_173 = tpu.scan <max>, %reduce_max3A_172 masked %reduce_max3A_169 : vector<16xi32>, vector<16xi1> -> vector<16xi32>
          %reduce_max3A_174 = arith.xori %reduce_max3A_173, %reduce_max3A_171 : vector<16xi32>
          %reduce_max3A_175 = vector.extract %reduce_max3A_174[15] : i32 from vector<16xi32>
          %while3A_176 = arith.constant 0 : i32
          %while3A_177 = arith.constant 0 : i32
          %while3A_178 = arith.subi %reduce_max3A_175, %while3A_177 : i32
          %while3A_179 = arith.addi %while3A_177, %while3A_178 : i32
          %while3A_180 = arith.constant 1 : i32
          %while3A_181 = arith.divsi %while3A_178, %while3A_180 : i32
          %while3A_182 = arith.muli %while3A_181, %while3A_180 : i32
          %while3A_183 = arith.addi %while3A_177, %while3A_182 : i32
          %while3A_184 = arith.constant 1 : i32
          scf.for %while3A_245 = %while3A_177 to %while3A_183 step %while3A_184  : i32 {
            %add3A_246 = vector.broadcast %while3A_245 : i32 to vector<16xi32>
            %add3A_247 = arith.addi %max3A_163, %add3A_246 : vector<16xi32>
            %lt3A_248 = arith.constant 384 : i32
            %lt3A_249 = vector.broadcast %lt3A_248 : i32 to vector<16xi32>
            %lt3A_250 = arith.cmpi slt, %add3A_247, %lt3A_249 : vector<16xi32>
            %jit3A_251 = arith.constant 0 : i32
            %broadcast_in_dim3A_252 = vector.broadcast %jit3A_251 : i32 to vector<16xi32>
            %select_n3A_253 = arith.select %lt3A_250, %add3A_247, %broadcast_in_dim3A_252 : vector<16xi1>, vector<16xi32>
            %add3A_254 = arith.constant 576 : i32
            %add3A_255 = vector.broadcast %add3A_254 : i32 to vector<16xi32>
            %add3A_256 = arith.addi %select_n3A_253, %add3A_255 : vector<16xi32>
            %gather3A_257 = arith.constant 0 : i32
            %gather3A_258 = tpu.memref_slice %arg6[%gather3A_257] : memref<960xf32, #tpu.memory_space<vmem>> -> memref<960xf32, #tpu.memory_space<vmem>>
            %gather3A_259 = tpu.vector_load_idx %gather3A_258[%add3A_256] : memref<960xf32, #tpu.memory_space<vmem>>[vector<16xi32>], vector<16xf32>,
            %mul3A_260 = arith.mulf %gather3A_112, %gather3A_259 : vector<16xf32>
            %mul3A_261 = arith.mulf %gather3A_118, %gather3A_26 : vector<16xf32>
            %add3A_262 = arith.addf %mul3A_260, %mul3A_261 : vector<16xf32>
            %sub3A_263 = arith.subf %add3A_262, %gather3A_124 : vector<16xf32>
            %abs3A_264 = math.absf %sub3A_263 : vector<16xf32>
            %lt3A_265 = arith.constant 3.000000e+00 : f32
            %lt3A_266 = vector.broadcast %lt3A_265 : f32 to vector<16xf32>
            %lt3A_267 = arith.cmpf olt, %abs3A_264, %lt3A_266 : vector<16xf32>
            %lt3A_268 = arith.constant 384 : i32
            %lt3A_269 = vector.broadcast %lt3A_268 : i32 to vector<16xi32>
            %lt3A_270 = arith.cmpi slt, %add3A_247, %lt3A_269 : vector<16xi32>
            %and3A = arith.andi %lt3A_267, %lt3A_270 : vector<16xi1>
            %add3A_271 = arith.addi %mul3A_13, %select_n3A_253 : vector<16xi32>
            %add3A_272 = arith.constant 9216 : i32
            %add3A_273 = vector.broadcast %add3A_272 : i32 to vector<16xi32>
            %add3A_274 = arith.addi %add3A_273, %iota3A : vector<16xi32>
            %select_n3A_275 = arith.select %and3A, %add3A_271, %add3A_274 : vector<16xi1>, vector<16xi32>
            %scatter3A = arith.constant 0 : i32
            %scatter3A_276 = tpu.memref_slice %arg7[%scatter3A] : memref<9232xf32, #tpu.memory_space<vmem>> -> memref<9232xf32, #tpu.memory_space<vmem>>
            tpu.vector_store_idx %scatter3A_276[%select_n3A_275], %broadcast_in_dim3A_2 : memref<9232xf32, #tpu.memory_space<vmem>>[vector<16xi32>], vector<16xf32>,
          }
          %while3A_185 = arith.constant 1 : i32
          scf.for %while3A_245 = %while3A_183 to %while3A_179 step %while3A_185  : i32 {
            %add3A_246 = vector.broadcast %while3A_245 : i32 to vector<16xi32>
            %add3A_247 = arith.addi %max3A_163, %add3A_246 : vector<16xi32>
            %lt3A_248 = arith.constant 384 : i32
            %lt3A_249 = vector.broadcast %lt3A_248 : i32 to vector<16xi32>
            %lt3A_250 = arith.cmpi slt, %add3A_247, %lt3A_249 : vector<16xi32>
            %jit3A_251 = arith.constant 0 : i32
            %broadcast_in_dim3A_252 = vector.broadcast %jit3A_251 : i32 to vector<16xi32>
            %select_n3A_253 = arith.select %lt3A_250, %add3A_247, %broadcast_in_dim3A_252 : vector<16xi1>, vector<16xi32>
            %add3A_254 = arith.constant 576 : i32
            %add3A_255 = vector.broadcast %add3A_254 : i32 to vector<16xi32>
            %add3A_256 = arith.addi %select_n3A_253, %add3A_255 : vector<16xi32>
            %gather3A_257 = arith.constant 0 : i32
            %gather3A_258 = tpu.memref_slice %arg6[%gather3A_257] : memref<960xf32, #tpu.memory_space<vmem>> -> memref<960xf32, #tpu.memory_space<vmem>>
            %gather3A_259 = tpu.vector_load_idx %gather3A_258[%add3A_256] : memref<960xf32, #tpu.memory_space<vmem>>[vector<16xi32>], vector<16xf32>,
            %mul3A_260 = arith.mulf %gather3A_112, %gather3A_259 : vector<16xf32>
            %mul3A_261 = arith.mulf %gather3A_118, %gather3A_26 : vector<16xf32>
            %add3A_262 = arith.addf %mul3A_260, %mul3A_261 : vector<16xf32>
            %sub3A_263 = arith.subf %add3A_262, %gather3A_124 : vector<16xf32>
            %abs3A_264 = math.absf %sub3A_263 : vector<16xf32>
            %lt3A_265 = arith.constant 3.000000e+00 : f32
            %lt3A_266 = vector.broadcast %lt3A_265 : f32 to vector<16xf32>
            %lt3A_267 = arith.cmpf olt, %abs3A_264, %lt3A_266 : vector<16xf32>
            %lt3A_268 = arith.constant 384 : i32
            %lt3A_269 = vector.broadcast %lt3A_268 : i32 to vector<16xi32>
            %lt3A_270 = arith.cmpi slt, %add3A_247, %lt3A_269 : vector<16xi32>
            %and3A = arith.andi %lt3A_267, %lt3A_270 : vector<16xi1>
            %add3A_271 = arith.addi %mul3A_13, %select_n3A_253 : vector<16xi32>
            %add3A_272 = arith.constant 9216 : i32
            %add3A_273 = vector.broadcast %add3A_272 : i32 to vector<16xi32>
            %add3A_274 = arith.addi %add3A_273, %iota3A : vector<16xi32>
            %select_n3A_275 = arith.select %and3A, %add3A_271, %add3A_274 : vector<16xi1>, vector<16xi32>
            %scatter3A = arith.constant 0 : i32
            %scatter3A_276 = tpu.memref_slice %arg7[%scatter3A] : memref<9232xf32, #tpu.memory_space<vmem>> -> memref<9232xf32, #tpu.memory_space<vmem>>
            tpu.vector_store_idx %scatter3A_276[%select_n3A_275], %broadcast_in_dim3A_2 : memref<9232xf32, #tpu.memory_space<vmem>>[vector<16xi32>], vector<16xf32>,
          }
          %mul3A_186 = arith.mulf %gather3A_118, %gather3A_38 : vector<16xf32>
          %sub3A_187 = arith.subf %gather3A_124, %mul3A_186 : vector<16xf32>
          %mul3A_188 = arith.mulf %sub3A_187, %div3A_126 : vector<16xf32>
          %add3A_189 = arith.constant 1.915000e+02 : f32
          %add3A_190 = vector.broadcast %add3A_189 : f32 to vector<16xf32>
          %add3A_191 = arith.addf %mul3A_188, %add3A_190 : vector<16xf32>
          %sub3A_192 = arith.subf %add3A_191, %mul3A_129 : vector<16xf32>
          %sub3A_193 = arith.subf %sub3A_192, %add3A_135 : vector<16xf32>
          %jit3A_194 = arith.constant 0.000000e+00 : f32
          %jit3A_195 = arith.constant 3.840000e+02 : f32
          %max3A_196 = vector.broadcast %jit3A_194 : f32 to vector<16xf32>
          %max3A_197 = arith.maximumf %max3A_196, %sub3A_193 : vector<16xf32>
          %min3A_198 = vector.broadcast %jit3A_195 : f32 to vector<16xf32>
          %min3A_199 = arith.minimumf %min3A_198, %max3A_197 : vector<16xf32>
          %add3A_200 = arith.addf %add3A_191, %mul3A_129 : vector<16xf32>
          %add3A_201 = arith.addf %add3A_200, %add3A_135 : vector<16xf32>
          %jit3A_202 = arith.constant 0.000000e+00 : f32
          %jit3A_203 = arith.constant 3.840000e+02 : f32
          %max3A_204 = vector.broadcast %jit3A_202 : f32 to vector<16xf32>
          %max3A_205 = arith.maximumf %max3A_204, %add3A_201 : vector<16xf32>
          %min3A_206 = vector.broadcast %jit3A_203 : f32 to vector<16xf32>
          %min3A_207 = arith.minimumf %min3A_206, %max3A_205 : vector<16xf32>
          %convert_element_type3A_208 = arith.fptosi %min3A_199 : vector<16xf32> to vector<16xi32>
          %sub3A_209 = arith.constant 1 : i32
          %sub3A_210 = vector.broadcast %sub3A_209 : i32 to vector<16xi32>
          %sub3A_211 = arith.subi %convert_element_type3A_208, %sub3A_210 : vector<16xi32>
          %max3A_212 = arith.constant 0 : i32
          %max3A_213 = vector.broadcast %max3A_212 : i32 to vector<16xi32>
          %max3A_214 = arith.maxsi %sub3A_211, %max3A_213 : vector<16xi32>
          %convert_element_type3A_215 = arith.fptosi %min3A_207 : vector<16xf32> to vector<16xi32>
          %sub3A_216 = arith.subi %convert_element_type3A_215, %max3A_214 : vector<16xi32>
          %add3A_217 = arith.constant 2 : i32
          %add3A_218 = vector.broadcast %add3A_217 : i32 to vector<16xi32>
          %add3A_219 = arith.addi %sub3A_216, %add3A_218 : vector<16xi32>
          %jit3A_220 = arith.constant 0 : i32
          %broadcast_in_dim3A_221 = vector.broadcast %jit3A_220 : i32 to vector<16xi32>
          %select_n3A_222 = arith.select %lt3A_10, %add3A_219, %broadcast_in_dim3A_221 : vector<16xi1>, vector<16xi32>
          %reduce_max3A_223 = arith.constant true
          %reduce_max3A_224 = vector.broadcast %reduce_max3A_223 : i1 to vector<16xi1>
          %reduce_max3A_225 = arith.constant -2147483648 : i32
          %reduce_max3A_226 = vector.broadcast %reduce_max3A_225 : i32 to vector<16xi32>
          %reduce_max3A_227 = arith.xori %select_n3A_222, %reduce_max3A_226 : vector<16xi32>
          %reduce_max3A_228 = tpu.scan <max>, %reduce_max3A_227 masked %reduce_max3A_224 : vector<16xi32>, vector<16xi1> -> vector<16xi32>
          %reduce_max3A_229 = arith.xori %reduce_max3A_228, %reduce_max3A_226 : vector<16xi32>
          %reduce_max3A_230 = vector.extract %reduce_max3A_229[15] : i32 from vector<16xi32>
          %while3A_231 = arith.constant 0 : i32
          %while3A_232 = arith.constant 0 : i32
          %while3A_233 = arith.subi %reduce_max3A_230, %while3A_232 : i32
          %while3A_234 = arith.addi %while3A_232, %while3A_233 : i32
          %while3A_235 = arith.constant 1 : i32
          %while3A_236 = arith.divsi %while3A_233, %while3A_235 : i32
          %while3A_237 = arith.muli %while3A_236, %while3A_235 : i32
          %while3A_238 = arith.addi %while3A_232, %while3A_237 : i32
          %while3A_239 = arith.constant 1 : i32
          scf.for %while3A_245 = %while3A_232 to %while3A_238 step %while3A_239  : i32 {
            %add3A_246 = vector.broadcast %while3A_245 : i32 to vector<16xi32>
            %add3A_247 = arith.addi %max3A_214, %add3A_246 : vector<16xi32>
            %lt3A_248 = arith.constant 384 : i32
            %lt3A_249 = vector.broadcast %lt3A_248 : i32 to vector<16xi32>
            %lt3A_250 = arith.cmpi slt, %add3A_247, %lt3A_249 : vector<16xi32>
            %jit3A_251 = arith.constant 0 : i32
            %broadcast_in_dim3A_252 = vector.broadcast %jit3A_251 : i32 to vector<16xi32>
            %select_n3A_253 = arith.select %lt3A_250, %add3A_247, %broadcast_in_dim3A_252 : vector<16xi1>, vector<16xi32>
            %add3A_254 = arith.constant 576 : i32
            %add3A_255 = vector.broadcast %add3A_254 : i32 to vector<16xi32>
            %add3A_256 = arith.addi %select_n3A_253, %add3A_255 : vector<16xi32>
            %gather3A_257 = arith.constant 0 : i32
            %gather3A_258 = tpu.memref_slice %arg6[%gather3A_257] : memref<960xf32, #tpu.memory_space<vmem>> -> memref<960xf32, #tpu.memory_space<vmem>>
            %gather3A_259 = tpu.vector_load_idx %gather3A_258[%add3A_256] : memref<960xf32, #tpu.memory_space<vmem>>[vector<16xi32>], vector<16xf32>,
            %mul3A_260 = arith.mulf %gather3A_112, %gather3A_259 : vector<16xf32>
            %mul3A_261 = arith.mulf %gather3A_118, %gather3A_38 : vector<16xf32>
            %add3A_262 = arith.addf %mul3A_260, %mul3A_261 : vector<16xf32>
            %sub3A_263 = arith.subf %add3A_262, %gather3A_124 : vector<16xf32>
            %abs3A_264 = math.absf %sub3A_263 : vector<16xf32>
            %lt3A_265 = arith.constant 3.000000e+00 : f32
            %lt3A_266 = vector.broadcast %lt3A_265 : f32 to vector<16xf32>
            %lt3A_267 = arith.cmpf olt, %abs3A_264, %lt3A_266 : vector<16xf32>
            %lt3A_268 = arith.constant 384 : i32
            %lt3A_269 = vector.broadcast %lt3A_268 : i32 to vector<16xi32>
            %lt3A_270 = arith.cmpi slt, %add3A_247, %lt3A_269 : vector<16xi32>
            %and3A = arith.andi %lt3A_267, %lt3A_270 : vector<16xi1>
            %and3A_271 = arith.andi %and3A, %lt3A_10 : vector<16xi1>
            %add3A_272 = arith.addi %select_n3A, %select_n3A_253 : vector<16xi32>
            %add3A_273 = arith.constant 9216 : i32
            %add3A_274 = vector.broadcast %add3A_273 : i32 to vector<16xi32>
            %add3A_275 = arith.addi %add3A_274, %iota3A : vector<16xi32>
            %select_n3A_276 = arith.select %and3A_271, %add3A_272, %add3A_275 : vector<16xi1>, vector<16xi32>
            %scatter3A = arith.constant 0 : i32
            %scatter3A_277 = tpu.memref_slice %arg7[%scatter3A] : memref<9232xf32, #tpu.memory_space<vmem>> -> memref<9232xf32, #tpu.memory_space<vmem>>
            tpu.vector_store_idx %scatter3A_277[%select_n3A_276], %broadcast_in_dim3A_2 : memref<9232xf32, #tpu.memory_space<vmem>>[vector<16xi32>], vector<16xf32>,
          }
          %while3A_240 = arith.constant 1 : i32
          scf.for %while3A_245 = %while3A_238 to %while3A_234 step %while3A_240  : i32 {
            %add3A_246 = vector.broadcast %while3A_245 : i32 to vector<16xi32>
            %add3A_247 = arith.addi %max3A_214, %add3A_246 : vector<16xi32>
            %lt3A_248 = arith.constant 384 : i32
            %lt3A_249 = vector.broadcast %lt3A_248 : i32 to vector<16xi32>
            %lt3A_250 = arith.cmpi slt, %add3A_247, %lt3A_249 : vector<16xi32>
            %jit3A_251 = arith.constant 0 : i32
            %broadcast_in_dim3A_252 = vector.broadcast %jit3A_251 : i32 to vector<16xi32>
            %select_n3A_253 = arith.select %lt3A_250, %add3A_247, %broadcast_in_dim3A_252 : vector<16xi1>, vector<16xi32>
            %add3A_254 = arith.constant 576 : i32
            %add3A_255 = vector.broadcast %add3A_254 : i32 to vector<16xi32>
            %add3A_256 = arith.addi %select_n3A_253, %add3A_255 : vector<16xi32>
            %gather3A_257 = arith.constant 0 : i32
            %gather3A_258 = tpu.memref_slice %arg6[%gather3A_257] : memref<960xf32, #tpu.memory_space<vmem>> -> memref<960xf32, #tpu.memory_space<vmem>>
            %gather3A_259 = tpu.vector_load_idx %gather3A_258[%add3A_256] : memref<960xf32, #tpu.memory_space<vmem>>[vector<16xi32>], vector<16xf32>,
            %mul3A_260 = arith.mulf %gather3A_112, %gather3A_259 : vector<16xf32>
            %mul3A_261 = arith.mulf %gather3A_118, %gather3A_38 : vector<16xf32>
            %add3A_262 = arith.addf %mul3A_260, %mul3A_261 : vector<16xf32>
            %sub3A_263 = arith.subf %add3A_262, %gather3A_124 : vector<16xf32>
            %abs3A_264 = math.absf %sub3A_263 : vector<16xf32>
            %lt3A_265 = arith.constant 3.000000e+00 : f32
            %lt3A_266 = vector.broadcast %lt3A_265 : f32 to vector<16xf32>
            %lt3A_267 = arith.cmpf olt, %abs3A_264, %lt3A_266 : vector<16xf32>
            %lt3A_268 = arith.constant 384 : i32
            %lt3A_269 = vector.broadcast %lt3A_268 : i32 to vector<16xi32>
            %lt3A_270 = arith.cmpi slt, %add3A_247, %lt3A_269 : vector<16xi32>
            %and3A = arith.andi %lt3A_267, %lt3A_270 : vector<16xi1>
            %and3A_271 = arith.andi %and3A, %lt3A_10 : vector<16xi1>
            %add3A_272 = arith.addi %select_n3A, %select_n3A_253 : vector<16xi32>
            %add3A_273 = arith.constant 9216 : i32
            %add3A_274 = vector.broadcast %add3A_273 : i32 to vector<16xi32>
            %add3A_275 = arith.addi %add3A_274, %iota3A : vector<16xi32>
            %select_n3A_276 = arith.select %and3A_271, %add3A_272, %add3A_275 : vector<16xi1>, vector<16xi32>
            %scatter3A = arith.constant 0 : i32
            %scatter3A_277 = tpu.memref_slice %arg7[%scatter3A] : memref<9232xf32, #tpu.memory_space<vmem>> -> memref<9232xf32, #tpu.memory_space<vmem>>
            tpu.vector_store_idx %scatter3A_277[%select_n3A_276], %broadcast_in_dim3A_2 : memref<9232xf32, #tpu.memory_space<vmem>>[vector<16xi32>], vector<16xf32>,
          }
          %eq3A = vector.broadcast %reduce_min3A_93 : i32 to vector<16xi32>
          %eq3A_241 = arith.cmpi eq, %iota3A, %eq3A : vector<16xi32>
          %jit3A_242 = arith.constant 0 : i32
          %broadcast_in_dim3A_243 = vector.broadcast %jit3A_242 : i32 to vector<16xi32>
          %select_n3A_244 = arith.select %eq3A_241, %broadcast_in_dim3A_243, %while3A_80 : vector<16xi1>, vector<16xi32>
          scf.yield %select_n3A_244 : vector<16xi32>
        }
      } else {
      }
    }
    %scan3A_44 = arith.constant 2116 : i32
    %mul3A_45 = arith.constant 384 : i32
    %mul3A_46 = arith.muli %mul3A_8, %mul3A_45 : i32
    "tpu.region"() ({
      %run_scoped3A = tpu.sem_alloc : memref<!tpu.dma_semaphore, #tpu.memory_space<semaphore_mem>>
      %dma_start3A = arith.constant 0 : i32
      %dma_start3A_47 = tpu.memref_slice %arg7[%dma_start3A] : memref<9232xf32, #tpu.memory_space<vmem>> -> memref<9216xf32, #tpu.memory_space<vmem>>
      %dma_start3A_48 = tpu.memref_slice %arg4[%arg0, %mul3A_46] : memref<2x147456xf32, #tpu.memory_space<hbm>> -> memref<1x9216xf32, #tpu.memory_space<hbm>>
      %dma_start3A_49 = tpu.memref_squeeze %dma_start3A_48 : memref<1x9216xf32, #tpu.memory_space<hbm>> -> memref<9216xf32, #tpu.memory_space<hbm>>
      %dma_start3A_50 = tpu.memref_slice %arg4[%arg0, %mul3A_46] : memref<2x147456xf32, #tpu.memory_space<hbm>> -> memref<1x9216xf32, #tpu.memory_space<hbm>>
      %dma_start3A_51 = tpu.memref_squeeze %dma_start3A_50 : memref<1x9216xf32, #tpu.memory_space<hbm>> -> memref<9216xf32, #tpu.memory_space<hbm>>
      %dma_start3A_52 = arith.constant 0 : i32
      %dma_start3A_53 = tpu.memref_slice %arg7[%dma_start3A_52] : memref<9232xf32, #tpu.memory_space<vmem>> -> memref<9216xf32, #tpu.memory_space<vmem>>
      tpu.enqueue_dma source(%dma_start3A_53 : memref<9216xf32, #tpu.memory_space<vmem>>) target(%dma_start3A_51 : memref<9216xf32, #tpu.memory_space<hbm>>) target_semaphore(%run_scoped3A : memref<!tpu.dma_semaphore, #tpu.memory_space<semaphore_mem>>)
      %dma_wait3A = arith.constant 0 : i32
      %dma_wait3A_54 = tpu.memref_slice %arg7[%dma_wait3A] : memref<9232xf32, #tpu.memory_space<vmem>> -> memref<9216xf32, #tpu.memory_space<vmem>>
      %dma_wait3A_55 = tpu.memref_slice %arg4[%arg0, %mul3A_46] : memref<2x147456xf32, #tpu.memory_space<hbm>> -> memref<1x9216xf32, #tpu.memory_space<hbm>>
      %dma_wait3A_56 = tpu.memref_squeeze %dma_wait3A_55 : memref<1x9216xf32, #tpu.memory_space<hbm>> -> memref<9216xf32, #tpu.memory_space<hbm>>
      %dma_wait3A_57 = tpu.memref_slice %arg4[%arg0, %mul3A_46] : memref<2x147456xf32, #tpu.memory_space<hbm>> -> memref<1x9216xf32, #tpu.memory_space<hbm>>
      %dma_wait3A_58 = tpu.memref_squeeze %dma_wait3A_57 : memref<1x9216xf32, #tpu.memory_space<hbm>> -> memref<9216xf32, #tpu.memory_space<hbm>>
      %dma_wait3A_59 = arith.constant 0 : i32
      %dma_wait3A_60 = tpu.memref_slice %arg7[%dma_wait3A_59] : memref<9232xf32, #tpu.memory_space<vmem>> -> memref<9216xf32, #tpu.memory_space<vmem>>
      tpu.wait_dma2 semaphore(%run_scoped3A : memref<!tpu.dma_semaphore, #tpu.memory_space<semaphore_mem>>) src(%dma_wait3A_60 : memref<9216xf32, #tpu.memory_space<vmem>>) dst(%dma_wait3A_58 : memref<9216xf32, #tpu.memory_space<hbm>>)
      tpu.yield
    }) : () -> ()
    return
  }
}

module attributes {stable_mosaic.version = 14 : i64} {
  func.func @_nms_body(%arg0: memref<2x192x192xf32, #tpu.memory_space<vmem>>, %arg1: memref<2x184x184xf32, #tpu.memory_space<vmem>>) attributes {dimension_semantics = [], scalar_prefetch = 0 : i64, scratch_operands = 0 : i64, tpu.core_type = #tpu.core_type<tc>} {
    %get3A = arith.constant 0 : index
    %get3A_0 = arith.constant 0 : index
    %get3A_1 = arith.constant 0 : index
    %get3A_2 = vector.load %arg0[%get3A, %get3A_0, %get3A_1] : memref<2x192x192xf32, #tpu.memory_space<vmem>>, vector<2x192x192xf32>
    %slice3A = vector.extract_strided_slice %get3A_2 {offsets = [0, 1, 1], sizes = [2, 184, 184], strides = [1, 1, 1]} : vector<2x192x192xf32> to vector<2x184x184xf32>
    %slice3A_3 = vector.extract_strided_slice %get3A_2 {offsets = [0, 0, 0], sizes = [2, 184, 184], strides = [1, 1, 1]} : vector<2x192x192xf32> to vector<2x184x184xf32>
    %max3A = arith.maximumf %slice3A, %slice3A_3 : vector<2x184x184xf32>
    %slice3A_4 = vector.extract_strided_slice %get3A_2 {offsets = [0, 0, 1], sizes = [2, 184, 184], strides = [1, 1, 1]} : vector<2x192x192xf32> to vector<2x184x184xf32>
    %max3A_5 = arith.maximumf %max3A, %slice3A_4 : vector<2x184x184xf32>
    %slice3A_6 = vector.extract_strided_slice %get3A_2 {offsets = [0, 0, 2], sizes = [2, 184, 184], strides = [1, 1, 1]} : vector<2x192x192xf32> to vector<2x184x184xf32>
    %max3A_7 = arith.maximumf %max3A_5, %slice3A_6 : vector<2x184x184xf32>
    %slice3A_8 = vector.extract_strided_slice %get3A_2 {offsets = [0, 1, 0], sizes = [2, 184, 184], strides = [1, 1, 1]} : vector<2x192x192xf32> to vector<2x184x184xf32>
    %max3A_9 = arith.maximumf %max3A_7, %slice3A_8 : vector<2x184x184xf32>
    %slice3A_10 = vector.extract_strided_slice %get3A_2 {offsets = [0, 1, 1], sizes = [2, 184, 184], strides = [1, 1, 1]} : vector<2x192x192xf32> to vector<2x184x184xf32>
    %max3A_11 = arith.maximumf %max3A_9, %slice3A_10 : vector<2x184x184xf32>
    %slice3A_12 = vector.extract_strided_slice %get3A_2 {offsets = [0, 1, 2], sizes = [2, 184, 184], strides = [1, 1, 1]} : vector<2x192x192xf32> to vector<2x184x184xf32>
    %max3A_13 = arith.maximumf %max3A_11, %slice3A_12 : vector<2x184x184xf32>
    %slice3A_14 = vector.extract_strided_slice %get3A_2 {offsets = [0, 2, 0], sizes = [2, 184, 184], strides = [1, 1, 1]} : vector<2x192x192xf32> to vector<2x184x184xf32>
    %max3A_15 = arith.maximumf %max3A_13, %slice3A_14 : vector<2x184x184xf32>
    %slice3A_16 = vector.extract_strided_slice %get3A_2 {offsets = [0, 2, 1], sizes = [2, 184, 184], strides = [1, 1, 1]} : vector<2x192x192xf32> to vector<2x184x184xf32>
    %max3A_17 = arith.maximumf %max3A_15, %slice3A_16 : vector<2x184x184xf32>
    %slice3A_18 = vector.extract_strided_slice %get3A_2 {offsets = [0, 2, 2], sizes = [2, 184, 184], strides = [1, 1, 1]} : vector<2x192x192xf32> to vector<2x184x184xf32>
    %max3A_19 = arith.maximumf %max3A_17, %slice3A_18 : vector<2x184x184xf32>
    %reduce_max3A = arith.constant dense<0xFF800000> : vector<2xf32>
    %reduce_max3A_20 = vector.multi_reduction <maximumf>, %get3A_2, %reduce_max3A [1, 2] : vector<2x192x192xf32> to vector<2xf32>
    %broadcast_in_dim3A = vector.shape_cast %reduce_max3A_20 : vector<2xf32> to vector<2x1x1xf32>
    %eq3A = arith.cmpf oeq, %slice3A, %max3A_19 : vector<2x184x184xf32>
    %mul3A = arith.constant 5.000000e-01 : f32
    %mul3A_21 = vector.broadcast %mul3A : f32 to vector<2x1x1xf32>
    %mul3A_22 = arith.mulf %mul3A_21, %broadcast_in_dim3A : vector<2x1x1xf32>
    %gt3A = vector.broadcast %mul3A_22 : vector<2x1x1xf32> to vector<2x184x184xf32>
    %gt3A_23 = arith.cmpf ogt, %slice3A, %gt3A : vector<2x184x184xf32>
    %and3A = arith.andi %eq3A, %gt3A_23 : vector<2x184x184xi1>
    %convert_element_type3A = arith.extui %and3A : vector<2x184x184xi1> to vector<2x184x184xi32>
    %convert_element_type3A_24 = arith.sitofp %convert_element_type3A : vector<2x184x184xi32> to vector<2x184x184xf32>
    %swap3A = arith.constant 0 : index
    %swap3A_25 = arith.constant 0 : index
    %swap3A_26 = arith.constant 0 : index
    %swap3A_27 = vector.load %arg1[%swap3A, %swap3A_25, %swap3A_26] : memref<2x184x184xf32, #tpu.memory_space<vmem>>, vector<2x184x184xf32>
    tpu.vector_store %arg1[%swap3A, %swap3A_25, %swap3A_26], %convert_element_type3A_24 {strides = array<i32>} : memref<2x184x184xf32, #tpu.memory_space<vmem>>, vector<2x184x184xf32>,
    return
  }
}

</mosaic_0001>

<sc_bundles>
// kernel: kernel.4.cloned.1.call-start
scs
__scs_entry_jumppad:
0x0: {  	(pc) =	sbr.rel $0x88, $3  }
0x1: {  	(tag) =	ssettag $0x0;
	lr =	simm.s32 $0x1  }
0x2: {  	[smem:$0x3FA0] =	sst lr;
	_ =	strace $0xD0000000  }
0x3: {  	_ = 	snop  }
0x4: {  	_ = 	snop  }
0x5: {  	_ = 	snop  }
0x6: {  	_ = 	snop  }
0x7: {  	_ = 	snop  }
__scs_overlays_trampoline_lowered:
0x8: {  	[smem:$0x3FAF] =	sst s0  }
0x9: {  	[smem:$0x3FB0] =	sst s1  }
0xa: {  	[smem:$0x3FB1] =	sst s2  }
0xb: {  	[smem:$0x3FB2] =	sst s3  }
0xc: {  	[smem:$0x3FB3] =	sst s4  }
0xd: {  	[smem:$0x3FB4] =	sst s5  }
0xe: {  	[smem:$0x3FB5] =	sst s6  }
0xf: {  	[smem:$0x3FB6] =	sst s7  }
0x10: {  	[smem:$0x3FB7] =	sst s8  }
0x11: {  	[smem:$0x3FB8] =	sst s9;
	s0 =	simm.s32 @!p0 $0x0  }
0x12: {  	s1 =	sld [smem:$0x3F9E];
	s0 =	simm.s32 @p0 $0x1  }
0x13: {  	[smem:$0x3FB9] =	sst s0;
	s0 =	simm.s32 @!p1 $0x0  }
0x14: {  	s2 =	sld [smem:$0x3F9D];
	s0 =	simm.s32 @p1 $0x1  }
0x15: {  	[smem:$0x3FBA] =	sst s0;
	s0 =	simm.s32 @!p2 $0x0  }
0x16: {  	s3 =	sld [smem:$0x3FDB];
	s0 =	simm.s32 @p2 $0x1  }
0x17: {  	s4 =	simm.s32 $0x1BF5;
	[smem:$0x3FBC] =	sst s0  }
0x18: {  	s0 =	sld [smem:$0x3F9F];
	_ =	swait.ge [sflag:s4], $0x0  }
0x19: {  	s7 =	sld [smem:$0x3FA0]  }
0x1a: {  	s8 =	sadd.s32 $0xFFFFE003, lr  }
0x1b: {  	s9 =	sadd.s32 $0xFFFFFEF7, lr;
	s5 =	simm.s32 $0xFFFFFFFF;
	p2 =	slt.u32 s8, $0xFFFFF086  }
0x1c: {  	p1 =	slt.u32 s9, $0xF7A;
	s5 =	simm.s32 @!p2 $0x0  }
0x1d: {  	s5 =	simm.s32 @p1 $0x1;
	p0 =	seq.s32 s7, s2  }
0x1e: {  	s7 =	smul.u32 @!p0 $0xF7A, s2;
	p2 =	seq.s32 @!p0 s5, $0x0  }
0x1f: {  	s9 =	smul.u32 $0xF7A, s1;
	s8 =	simm.s32 @!p0 $0x1BF5;
	p2 =	por !p2, p0  }
0x20: {  	[sflag:s8] =	ssyncset.s32 @!p0 $0xFFFFF086;
	s6 =	sadd.s32 @!p0 s3, s7;
	s7 =	simm.s32 @!p0 $0x108  }
0x21: {  	s3 =	sadd.s32 s3, s9;
	s6 =	sadd.s32 @!p0 $0x88, s6;
	s7 =	simm.s32 @p2 $0x1082  }
0x22: {  	[simem:s7], [sflag:s8] =	dma.local @!p0 [hbm:s6], $0xF7A  }
0x23: {  	s9 =	sor.u32 $0xD0000000, s2;
	s6 =	simm.s32 $0x108;
	_ =	swait.ge @!p0 [sflag:s8], $0x0  }
0x24: {  	s3 =	sadd.s32 $0x88, s3;
	s6 =	simm.s32 @!p1 $0x1082;
	[sflag:s4] =	ssyncset.s32 $0xFFFFF086  }
0x25: {  	[simem:s6], [sflag:s4] =	dma.local [hbm:s3], $0xF7A  }
0x26: {  	[smem:$0x3FA0] =	sst s1;
	(tag) =	ssettag s2;
	_ =	strace s9  }
0x27: {  	s1 =	sld [smem:$0x3FB0]  }
0x28: {  	s2 =	sld [smem:$0x3FB1]  }
0x29: {  	s4 =	sld [smem:$0x3FB3]  }
0x2a: {  	p0 =	seq.s32 s5, $0x0;
	s5 =	sld [smem:$0x3FB4]  }
0x2b: {  	s6 =	sld [smem:$0x3FB5]  }
0x2c: {  	s7 =	sld [smem:$0x3FB6]  }
0x2d: {  	s3 =	simm.s32 $0x108;
	s8 =	sld [smem:$0x3FB7]  }
0x2e: {  	s3 =	simm.s32 @!p0 $0x1082;
	s9 =	sld [smem:$0x3FB8]  }
0x2f: {  	lr =	sadd.s32 s0, s3;
	s0 =	sld [smem:$0x3FAF]  }
0x30: {  	s3 =	sld [smem:$0x3FB2]  }
0x31: {  	[smem:$0x3FBB] =	sst s10  }
0x32: {  	s10 =	sld [smem:$0x3FB9];
	_ =	sdelay $0x3  }
0x33: {  	p0 =	seq.s32 s10, $0x1;
	s10 =	sld [smem:$0x3FBB];
	_ =	sdelay $0x3  }
0x34: {  	[smem:$0x3FBB] =	sst s10  }
0x35: {  	s10 =	sld [smem:$0x3FBA];
	_ =	sdelay $0x3  }
0x36: {  	p1 =	seq.s32 s10, $0x1;
	s10 =	sld [smem:$0x3FBB];
	_ =	sdelay $0x3  }
0x37: {  	[smem:$0x3FBB] =	sst s10  }
0x38: {  	s10 =	sld [smem:$0x3FBC]  }
0x39: {  	_ = 	snop;
	(pc) =	sbr.ind lr, $3  }
0x3a: {  	_ = 	snop  }
0x3b: {  	_ = 	snop  }
0x3c: {  	p2 =	seq.s32 s10, $0x1;
	s10 =	sld [smem:$0x3FBB]  }
0x3d: {  	_ =	shalt  }
0x3e: {  	_ =	shalt  }
0x3f: {  	_ =	shalt  }
0x40: {  	_ =	shalt  }
0x41: {  	_ =	shalt  }
0x42: {  	_ =	shalt  }
0x43: {  	_ =	shalt  }
0x44: {  	_ =	shalt  }
0x45: {  	_ =	shalt  }
0x46: {  	_ =	shalt  }
0x47: {  	_ =	shalt  }
0x48: {  	_ =	shalt  }
0x49: {  	_ =	shalt  }
0x4a: {  	_ =	shalt  }
0x4b: {  	_ =	shalt  }
0x4c: {  	_ =	shalt  }
0x4d: {  	_ =	shalt  }
0x4e: {  	_ =	shalt  }
0x4f: {  	_ =	shalt  }
0x50: {  	_ =	shalt  }
0x51: {  	_ =	shalt  }
0x52: {  	_ =	shalt  }
0x53: {  	_ =	shalt  }
0x54: {  	_ =	shalt  }
0x55: {  	_ =	shalt  }
0x56: {  	_ =	shalt  }
0x57: {  	_ =	shalt  }
0x58: {  	_ =	shalt  }
0x59: {  	_ =	shalt  }
0x5a: {  	_ =	shalt  }
0x5b: {  	_ =	shalt  }
0x5c: {  	_ =	shalt  }
0x5d: {  	_ =	shalt  }
0x5e: {  	_ =	shalt  }
0x5f: {  	_ =	shalt  }
0x60: {  	_ =	shalt  }
0x61: {  	_ =	shalt  }
0x62: {  	_ =	shalt  }
0x63: {  	_ =	shalt  }
0x64: {  	_ =	shalt  }
0x65: {  	_ =	shalt  }
0x66: {  	_ =	shalt  }
0x67: {  	_ =	shalt  }
0x68: {  	_ =	shalt  }
0x69: {  	_ =	shalt  }
0x6a: {  	_ =	shalt  }
0x6b: {  	_ =	shalt  }
0x6c: {  	_ =	shalt  }
0x6d: {  	_ =	shalt  }
0x6e: {  	_ =	shalt  }
0x6f: {  	_ =	shalt  }
0x70: {  	_ =	shalt  }
0x71: {  	_ =	shalt  }
0x72: {  	_ =	shalt  }
0x73: {  	_ =	shalt  }
0x74: {  	_ =	shalt  }
0x75: {  	_ =	shalt  }
0x76: {  	_ =	shalt  }
0x77: {  	_ =	shalt  }
0x78: {  	_ =	shalt  }
0x79: {  	_ =	shalt  }
0x7a: {  	_ =	shalt  }
0x7b: {  	_ =	shalt  }
0x7c: {  	_ =	shalt  }
0x7d: {  	_ =	shalt  }
0x7e: {  	_ =	shalt  }
0x7f: {  	_ =	shalt  }
0x80: {  	_ =	shalt  }
0x81: {  	_ =	shalt  }
0x82: {  	_ =	shalt  }
0x83: {  	_ =	shalt  }
0x84: {  	_ =	shalt  }
0x85: {  	_ =	shalt  }
0x86: {  	_ =	shalt  }
0x87: {  	_ =	shalt  }
.Lfunc_end0:
.L_simem_size_0:
called_computation_lowered:
.L_overlay_start_0:
0x88: {  	s2 =	sld [smem:$0x3FD9]  }
0x89: {  	s3 =	sld [smem:$0x3FFE];
	_ =	sdelay $0x1  }
0x8a: {  	s1 =	srdreg.scid  }
0x8b: {  	s0 =	sand.u32 $0x1, s1  }
0x8c: {  	s17 =	sshll.u32 s0, $0xA;
	s2 =	sadd.s32 s3, s2  }
0x8d: {  	s2 =	sadd.s32 s2, s17  }
0x8e: {  	[smem:$0x3FC7] =	sst s2  }
0x8f: {  	_ = 	snop  }
0x90: {  	s2 =	sld [smem:$0x3FD0];
	(tm) =	ssettm $0x1  }
0x91: {  	s18 =	sld [smem:$0x3FFB];
	_ =	sdelay $0x3  }
0x92: {  	_ =	strace s18  }
0x93: {  	s3 =	sld [smem:$0x3FFC];
	_ =	sdelay $0x3  }
0x94: {  	_ =	strace s3  }
0x95: {  	s3 =	sld [smem:$0x3FFD];
	_ =	sdelay $0x3  }
0x96: {  	_ =	strace s3  }
0x97: {  	_ =	strace $0x8FFFFFFF  }
0x98: {  	s19 =	sld [smem:$0x3FDB];
	_ =	sdelay $0x1  }
0x99: {  	s4 =	simm.s32 $_scs_section_size  }
0x9a: {  	s5 =	simm.s32 $_size__tile_overlayer_lowered;
	s6 =	simm.s32 $_tile_overlayer_lowered  }
0x9b: {  	s22 =	simm.s32 $0x1BFF;
	s21 =	sshll.u32 s6, $0x1;
	s3 =	sadd.s32 s4, s19  }
0x9c: {  	s7 =	simm.s32 $0x0;
	s20 =	sshll.u32 s5, $0x1;
	s5 =	sadd.s32 s21, s3  }
0x9d: {  	[timem:s7], [sflag:s22] =	dma.local [hbm:s5], s20  }
0x9e: {  	_ =	swait.ge [sflag:s22], s20  }
0x9f: {  	s4 =	ssub.s32 $0x0, s20;
	[sflag:s22] =	ssyncset.done $0x0  }
0xa0: {  	[sflag:s22] =	ssyncadd.s32 s4;
	_ =	sdelay $0x1  }
0xa1: {  	s23 =	simm.s32 $0x1B8B  }
0xa2: {  	_ =	swait.ge [sflag:s23], $0x1  }
0xa3: {  	[sflag:s23] =	ssyncset.done $0x0  }
0xa4: {  	s25 =	simm.s32 $0x1B8E;
	s24 =	sld [smem:$0x3FFE];
	[sflag:s23] =	ssyncadd.s32 $0xFFFFFFFF  }
0xa5: {  	s26 =	simm.s32 $execute0_lowered;
	[smem:$0x3FD2] =	sst s25  }
0xa6: {  	s5 =	sshll.u32 s26, $0x1;
	_ =	strace $0x80000046;
	[dreg:$0x1] =	wrdreg $0xFFFFFFFF  }
0xa7: {  	s28 =	simm.s32 $_size_execute0_lowered;
	s3 =	sadd.s32 s3, s5;
	[dreg:$0x0] =	wrdreg $0x0  }
0xa8: {  	s5 =	sshll.u32 s28, $0x1;
	[dreg:$0x2] =	wrdreg s3  }
0xa9: {  	[dreg:$0x3] =	wrdreg s5  }
0xaa: {  	[dreg:$0x4] =	wrdreg $0xC0  }
0xab: {  	_ =	task [dreg:s7], $0x5FFFF  }
0xac: {  	[dreg:$0x1] =	wrdreg $0xFFFFFFFF  }
0xad: {  	[dreg:$0x0] =	wrdreg $0x60  }
0xae: {  	[dreg:$0x2] =	wrdreg s2  }
0xaf: {  	[dreg:$0x3] =	wrdreg s24  }
0xb0: {  	[dreg:$0x4] =	wrdreg $0x9  }
0xb1: {  	_ =	task.clear_ibuf [dreg:s7], $0x5FFFF;
	_ =	strace $0x90000046  }
0xb2: {  	s29 =	simm.s32 $0x9;
	_ =	strace $0x80000048  }
0xb3: {  	_ =	swait.ge [sflag:s29], $0x1  }
0xb4: {  	[sflag:s29] =	ssyncadd.s32 $0xFFFFFFFF  }
0xb5: {  	_ =	strace $0x90000048  }
0xb6: {  	_ =	sfence  }
0xb7: {  	s30 =	sld [smem:$0x0];
	_ =	sdelay $0x2  }
0xb8: {  	s31 =	sshll.u32 s1, $0xD;
	s1 =	sshrl.u32 s1, $0x2  }
0xb9: {  	s3 =	sand.u32 $0x4000, s31;
	s1 =	sadd.s32 s1, s30  }
0xba: {  	s0 =	sor.u32 s3, s0;
	s1 =	sshll.u32 s1, $0x11  }
0xbb: {  	s0 =	sor.u32 s1, s0  }
0xbc: {  	s0 =	sadd.s32 $0x8F2B, s0  }
0xbd: {  	[sflag:s0] =	ssyncadd.remote.s32 $0x1  }
0xbe: {  	_ =	sfence.sel $0xFFFF  }
0xbf: {  	[dreg:$0x0] =	wrdreg $0xFFFFFFFF;
	(pc) =	sbr.abs _section_cstart, $3  }
0xc0: {  	[dreg:$0x1] =	wrdreg $0xFFFFFFFF  }
0xc1: {  	_ =	task.clear_ibuf [dreg:s7], $0x2FFFF;
	_ =	strace $0x9FFFFFFF  }
0xc2: {  	(tm) =	ssettm $0x7FFFFFFF  }
0xc3: {  	_ =	shalt  }
tec
execute0_lowered:
.L_overlay_start_1:
0x0: {  	(tag) =	ssettag $0x1  }
0x1: {  	s4 =	rddreg [dreg:$0x0]  }
0x2: {  	s0 =	stileid.u32;
	s5 =	rddreg [dreg:$0x1]  }
0x3: {  	s1 =	rddreg [dreg:$0x2];
	s3 =	srdreg.scid;
	v2 =	vimm.s32 $0x0;
	vm0 =	vcmask $0x300  }
0x4: {  	v0 =	vlaneseq.u32;
	s10 =	simm.s32 $0x8480;
	s11 =	simm.s32 $0x8880;
	s2 =	smul.u32 $0x18, s0;
	v4 =	vsel vm0, $0x1800, v2;
	vm0 =	vcmask $0x704  }
0x5: {  	s12 =	simm.s32 $0x0;
	s16 =	simm.s32 $0x0;
	v1 =	vor.u32 $0x240, v0;
	s7 =	sand.u32 $0x1, s3;
	v4 =	vsel vm0, $0x1980, v4;
	vm0 =	vcmask $0xB08  }
0x6: {  	vm1 =	vcmask $0x1F1C;
	s29 =	smul.u32 $0x4800, s0;
	s3 =	sadd.s32 $0xA00, s5;
	v1 =	vadd.s32 s2, v1;
	s6 =	sadd.s32 $0x10, s2;
	v5 =	vsel vm0, $0x1B00, v4  }
0x7: {  	s30 =	sshll.u32 s7, $0x7;
	s8 =	ssub.s32 $0x2, s7;
	s7 =	sshll.u32 s7, $0x4;
	vm0 =	vcmask $0xF0C;
	v4 =	vimm.f32 $0.0e+00;
	v3 =	vadd.s32 s6, v0  }
.Ltmp0:
0x8: {  	s2 =	simm.s32 $0x0;
	s9 =	sshrl.u32 s8, $0x1;
	v6 =	vsel vm0, $0x1C80, v5;
	vm0 =	vcmask $0x1310;
	v5 =	vor.u32 $0x80000000, v0;
	(pc) =	sbr.rel .LBB2_1-.Ltmp0, $4  }
0x9: {  	s4 =	sadd.s32 s4, s7;
	s7 =	simm.s32 $0x80;
	s6 =	sor.u32 s30, s29;
	v3 =	vmin.u32 v3, $0x17F;
	v7 =	vsel vm0, $0x1E00, v6;
	vm0 =	vcmask $0x1714  }
0xa: {  	[smem:$0x7FF] =	sst s2;
	s31 =	ssub.s32 s8, s9;
	s6 =	sshrl.u32 s6, $0x3;
	v6 =	vmul.u32 $0x180, v0;
	v8 =	vsel vm0, $0x1F80, v7;
	vm0 =	vcmask $0x1B18  }
0xb: {  	s8 =	simm.s32 $0x100;
	s9 =	simm.s32 $0x1;
	v3 =	vadd.s32 $0x240, v3;
	s5 =	sadd.s32 s6, s5;
	v7 =	vor.u32 $0x2400, v0;
	v9 =	vsel vm0, $0x2100, v8  }
0xc: {  	_ =	strace $0x80000047;
	s6 =	smax.u32 s31, $0x1;
	s5 =	sadd.s32 $0xC00, s5;
	v8 =	vimm.f32 $1.000000000e+00;
	vm0 =	vmmov $0xff;
	v9 =	vsel vm1, $0x2280, v9  }
.LBB2_16:
0xd: {  	s12 =	sadd.s32 $0x1, s12  }
0xe: {  	p0 =	sne.s32 s12, s6  }
.Ltmp1:
0xf: {  	_ = 	snop;
	(pc) =	sbr.rel @!p0 .LBB2_17-.Ltmp1, $4  }
0x10: {  	[hbm4b:s5+s7] =	stream.strided.scatter [tilespmem:s11], [sflag:$0x1], $0x2400, s8, s7, $0x38;
	[tilespmem:$0xAD00] =	vst v63  }
0x11: {  	_ =	swait.ge [sflag:s9], $0x2400  }
0x12: {  	[sflag:s9] =	ssyncset.done $0x0  }
0x13: {  	[sflag:s9] =	ssyncadd.s32 $0xFFFFDC00  }
.LBB2_1:
0x14: {  	[tilespmem:s2], [sflag:$0x1] =	stream.strided.gather [hbm4b:s4+s7], $0x8480, s8, s7, $0x38;
	[tilespmem:$0xAD00] =	vst v63  }
0x15: {  	_ =	swait.ge [sflag:s9], $0x8480  }
0x16: {  	[sflag:s9] =	ssyncset.done $0x0  }
0x17: {  	[sflag:s9] =	ssyncadd.s32 $0xFFFF7B80  }
0x18: {  	[tilespmem:s10], [sflag:$0x1] =	stream.linear.gather [hbm4b:s3+s2], $0x400, $0x38;
	[tilespmem:$0xAD00] =	vst v63  }
0x19: {  	_ =	swait.ge [sflag:s9], $0x400  }
0x1a: {  	[sflag:s9] =	ssyncset.done $0x0  }
0x1b: {  	s13 =	simm.s32 $0x40;
	s14 =	simm.s32 $0x0;
	[sflag:s9] =	ssyncadd.s32 $0xFFFFFC00  }
.LBB2_2:
0x1c: {  	p0 =	sne.s32 s13, $0x9000;
	[tilespmem:s14+$0x8880] =	vst v4;
	s14 =	smov.u32 s13;
	s13 =	sadd.s32 $0x40, s13  }
.Ltmp2:
0x1d: {  	(pc) =	sbr.rel @p0 .LBB2_2-.Ltmp2, $2  }
0x1e: {  	_ =	sdelay $0x2  }
0x1f: {  	s14 =	sshra.s32 s14, $0x2  }
0x20: {  	_ = 	snop  }
.Ltmp3:
0x21: {  	_ = 	snop;
	(pc) =	sbr.rel .LBB2_4-.Ltmp3, $4  }
0x22: {  	_ = 	snop  }
0x23: {  	[tilespmem:s14+$0x8880] =	vst v4  }
0x24: {  	v10 =	vld.idx.msk [tilespmem:v1+s10+$0x0], $0xffff  }
0x25: {  	s13 =	simm.s32 $0x0;
	v11 =	vld.idx.msk [tilespmem:v3+s10+$0x0], $0xffff  }
.LBB2_15:
0x26: {  	s13 =	sadd.s32 $0x1, s13  }
0x27: {  	p0 =	sne.s32 s13, $0x844  }
.Ltmp4:
0x28: {  	_ = 	snop;
	(pc) =	sbr.rel @!p0 .LBB2_16-.Ltmp4, $1  }
0x29: {  	_ =	sdelay $0x3  }
.LBB2_4:
0x2a: {  	s14 =	sshll.u32 s13, $0x4  }
0x2b: {  	v12 =	vld [tilespmem:s14+$0x0];
	_ =	sdelay $0x4  }
0x2c: {  	vm1 =	vgt.f32 v12, $0.0e+00  }
0x2d: {  	v12 =	vsel vm1, $0x1, v2  }
0x2e: {  	(xrf0) =	vadd.scan.msk.s32 $0xffff, v12;
	_ =	sdelay $0x5  }
0x2f: {  	v13, _, _ =	vpop (xrf0)  }
0x30: {  	(v2sf) =	vpush v13, $0xF;
	_ =	sdelay $0xe  }
0x31: {  	s15 =	spop (v2sf)  }
0x32: {  	p0 =	slt.s32 s15, $0x1  }
.Ltmp5:
0x33: {  	_ = 	snop;
	(pc) =	sbr.rel @p0 .LBB2_15-.Ltmp5, $1  }
0x34: {  	_ =	sdelay $0x3  }
.Ltmp6:
0x35: {  	(pc) =	sbr.rel .LBB2_6-.Ltmp6, $2  }
0x36: {  	_ =	sdelay $0x2  }
0x37: {  	s17 =	simm.s32 $0x0  }
.LBB2_13:
0x38: {  	vm1 =	vmand vm1, vm2  }
0x39: {  	v13 =	vadd.s32 v9, v17;
	vm1 =	vmand vm1, vm0  }
0x3a: {  	v13 =	vsel vm1, v13, v7;
	_ =	sdelay $0x4  }
0x3b: {  	[tilespmem:v13+s11+$0x0] =	vst.idx.msk $0xffff, v8  }
.LBB2_14:
0x3c: {  	s17 =	sadd.s32 $0x1, s17  }
0x3d: {  	p0 =	sne.s32 s17, s15  }
.Ltmp7:
0x3e: {  	_ = 	snop;
	(pc) =	sbr.rel @!p0 .LBB2_15-.Ltmp7, $4  }
0x3f: {  	_ = 	snop  }
0x40: {  	v13 =	vmov s18  }
0x41: {  	vm1 =	veq.s32 v13, v0  }
0x42: {  	v12 =	vsel vm1, $0x0, v12  }
.LBB2_6:
0x43: {  	vm1 =	veq.s32 v12, $0x0  }
0x44: {  	v13 =	vsel vm1, $0x80000010, v5  }
0x45: {  	(xrf0) =	vmin.scan.msk.u32 $0xffff, v13;
	_ =	sdelay $0x5  }
0x46: {  	v13, _, _ =	vpop (xrf0)  }
0x47: {  	(v2sf) =	vpush v13, $0xF;
	_ =	sdelay $0xe  }
0x48: {  	s18 =	spop (v2sf)  }
0x49: {  	s18 =	sxor.u32 $0x80000000, s18  }
0x4a: {  	s19 =	sadd.s32 s14, s18  }
0x4b: {  	v13 =	vmov s19  }
0x4c: {  	v13 =	vcvt.s32.f32 v13;
	_ =	sdelay $0x1  }
0x4d: {  	v13 =	vadd.f32 $5.000000000e-01, v13;
	_ =	sdelay $0x1  }
0x4e: {  	v13 =	vmul.f32 $5.434782710e-03, v13;
	_ =	sdelay $0x1  }
0x4f: {  	v13 =	vtrunc.f32 v13  }
0x50: {  	v14 =	vcvt.f32.s32 v13;
	_ =	sdelay $0x5  }
0x51: {  	v13 =	vld.idx.msk [tilespmem:v14+s10+$0x0], $0xffff  }
0x52: {  	v15 =	vmul.u32 $0xFFFFFF48, v14  }
0x53: {  	v14 =	vadd.s32 $0xC0, v14  }
0x54: {  	v15 =	vadd.s32 s19, v15  }
0x55: {  	v16 =	vadd.s32 $0x180, v15  }
0x56: {  	(erf) = vrcp.f32 v13;
	_ =	sdelay $0x1  }
0x57: {  	v15 =	vld.idx.msk [tilespmem:v14+s10+$0x0], $0xffff;
	_ =	sdelay $0x1  }
0x58: {  	v14 =	vld.idx.msk [tilespmem:v16+s10+$0x0], $0xffff;
	_ =	sdelay $0x2  }
0x59: {  	v19 =	vmul.f32 v15, v10;
	_ =	sdelay $0x1  }
0x5a: {  	v18 =	vsub.f32 v14, v19;
	v17 =	vpop (erf)  }
0x5b: {  	v16 =	vand.u32 $0x7FFFFFFF, v17  }
0x5c: {  	v18 =	vmul.f32 v18, v17;
	v16 =	vmul.f32 $3.000000000e+00, v16;
	_ =	sdelay $0x1  }
0x5d: {  	v21 =	vadd.f32 $1.915000000e+02, v18;
	v20 =	vmul.f32 $1.999999950e-04, v16;
	_ =	sdelay $0x1  }
0x5e: {  	v18 =	vadd.f32 $2.500000000e+00, v20;
	v20 =	vsub.f32 v21, v16;
	_ =	sdelay $0x1  }
0x5f: {  	v20 =	vsub.f32 v20, v18  }
0x60: {  	v21 =	vadd.f32 v21, v16  }
0x61: {  	v20 =	vmax.f32 v20, $0.0e+00  }
0x62: {  	v21 =	vadd.f32 v21, v18;
	v20 =	vmin.f32 v20, $3.840000000e+02  }
0x63: {  	v20 =	vtrunc.f32 v20  }
0x64: {  	v21 =	vmax.f32 v21, $0.0e+00;
	v20 =	vcvt.f32.s32 v20  }
0x65: {  	v21 =	vmin.f32 v21, $3.840000000e+02  }
0x66: {  	v21 =	vtrunc.f32 v21;
	v20 =	vadd.s32 $0xFFFFFFFF, v20  }
0x67: {  	v21 =	vcvt.f32.s32 v21;
	vm1 =	vgt.s32 v20, $0x0  }
0x68: {  	v20 =	vnsel vm1, $0x0, v20  }
0x69: {  	v21 =	vsub.s32 v21, v20  }
0x6a: {  	v21 =	vadd.s32 $0x80000002, v21  }
0x6b: {  	(xrf0) =	vmax.scan.msk.u32 $0xffff, v21;
	_ =	sdelay $0x5  }
0x6c: {  	v21, _, _ =	vpop (xrf0)  }
0x6d: {  	(v2sf) =	vpush v21, $0xF;
	_ =	sdelay $0xe  }
0x6e: {  	s31 =	spop (v2sf)  }
0x6f: {  	s19 =	sxor.u32 $0x80000000, s31  }
0x70: {  	p0 =	slt.s32 s19, $0x1  }
.Ltmp8:
0x71: {  	_ = 	snop;
	(pc) =	sbr.rel @p0 .LBB2_10-.Ltmp8, $1  }
0x72: {  	_ =	sdelay $0x3  }
0x73: {  	v21 =	vadd.s32 s16, v20  }
0x74: {  	vm1 =	vlt.s32 v21, $0x180  }
0x75: {  	v21 =	vnsel vm1, $0x0, v21  }
0x76: {  	v22 =	vadd.s32 $0x240, v21;
	_ =	sdelay $0x4  }
0x77: {  	v22 =	vld.idx.msk [tilespmem:v22+s10+$0x0], $0xffff;
	_ =	sdelay $0x4  }
0x78: {  	s20 =	sadd.s32 $0x1, s16;
	v22 =	vmul.f32 v22, v13  }
0x79: {  	p0 =	sne.s32 s19, s20  }
.Ltmp9:
0x7a: {  	v22 =	vadd.f32 v22, v19;
	(pc) =	sbr.rel @!p0 .LBB2_9-.Ltmp9, $3  }
0x7b: {  	_ = 	snop  }
0x7c: {  	v22 =	vsub.f32 v22, v14;
	_ =	sdelay $0x1  }
0x7d: {  	v22 =	vand.u32 $0x7FFFFFFF, v22  }
.LBB2_8:
0x7e: {  	v23 =	vadd.s32 s20, v20;
	s20 =	sadd.s32 $0x1, s20;
	vm2 =	vlt.f32 v22, $3.000000000e+00  }
0x7f: {  	v22 =	vadd.s32 v6, v21;
	p0 =	sne.s32 s19, s20;
	vm2 =	vmand vm1, vm2;
	vm1 =	vlt.s32 v23, $0x180  }
0x80: {  	v21 =	vnsel vm1, $0x0, v23;
	v22 =	vsel vm2, v22, v7  }
0x81: {  	v23 =	vadd.s32 $0x240, v21;
	_ =	sdelay $0x3  }
0x82: {  	[tilespmem:v22+s11+$0x0] =	vst.idx.msk $0xffff, v8  }
0x83: {  	v22 =	vld.idx.msk [tilespmem:v23+s10+$0x0], $0xffff;
	_ =	sdelay $0x5  }
0x84: {  	v22 =	vmul.f32 v22, v13;
	_ =	sdelay $0x1  }
.Ltmp10:
0x85: {  	v22 =	vadd.f32 v22, v19;
	(pc) =	sbr.rel @p0 .LBB2_8-.Ltmp10, $3  }
0x86: {  	_ = 	snop  }
0x87: {  	v22 =	vsub.f32 v22, v14;
	_ =	sdelay $0x1  }
0x88: {  	v22 =	vand.u32 $0x7FFFFFFF, v22  }
.LBB2_9:
0x89: {  	vm2 =	vlt.f32 v22, $3.000000000e+00  }
0x8a: {  	v19 =	vadd.s32 v6, v21;
	vm1 =	vmand vm1, vm2  }
0x8b: {  	v19 =	vsel vm1, v19, v7;
	_ =	sdelay $0x4  }
0x8c: {  	[tilespmem:v19+s11+$0x0] =	vst.idx.msk $0xffff, v8  }
.LBB2_10:
0x8d: {  	v15 =	vmul.f32 v15, v11;
	_ =	sdelay $0x1  }
0x8e: {  	v19 =	vsub.f32 v14, v15;
	_ =	sdelay $0x1  }
0x8f: {  	v17 =	vmul.f32 v19, v17;
	_ =	sdelay $0x1  }
0x90: {  	v17 =	vadd.f32 $1.915000000e+02, v17;
	_ =	sdelay $0x1  }
0x91: {  	v19 =	vsub.f32 v17, v16;
	_ =	sdelay $0x1  }
0x92: {  	v19 =	vsub.f32 v19, v18  }
0x93: {  	v16 =	vadd.f32 v17, v16  }
0x94: {  	v17 =	vmax.f32 v19, $0.0e+00  }
0x95: {  	v16 =	vadd.f32 v16, v18;
	v17 =	vmin.f32 v17, $3.840000000e+02  }
0x96: {  	v17 =	vtrunc.f32 v17  }
0x97: {  	v16 =	vmax.f32 v16, $0.0e+00;
	v17 =	vcvt.f32.s32 v17  }
0x98: {  	v16 =	vmin.f32 v16, $3.840000000e+02  }
0x99: {  	v16 =	vtrunc.f32 v16;
	v17 =	vadd.s32 $0xFFFFFFFF, v17  }
0x9a: {  	v18 =	vcvt.f32.s32 v16;
	vm1 =	vgt.s32 v17, $0x0  }
0x9b: {  	v16 =	vnsel vm1, $0x0, v17  }
0x9c: {  	v17 =	vsub.s32 v18, v16  }
0x9d: {  	v17 =	vadd.s32 $0x2, v17  }
0x9e: {  	v17 =	vnsel vm0, $0x0, v17  }
0x9f: {  	v17 =	vxor.u32 $0x80000000, v17  }
0xa0: {  	(xrf0) =	vmax.scan.msk.u32 $0xffff, v17;
	_ =	sdelay $0x5  }
0xa1: {  	v17, _, _ =	vpop (xrf0)  }
0xa2: {  	(v2sf) =	vpush v17, $0xF;
	_ =	sdelay $0xe  }
0xa3: {  	s19 =	spop (v2sf)  }
0xa4: {  	s19 =	sxor.u32 $0x80000000, s19  }
0xa5: {  	p0 =	slt.s32 s19, $0x1  }
.Ltmp11:
0xa6: {  	_ = 	snop;
	(pc) =	sbr.rel @p0 .LBB2_14-.Ltmp11, $2  }
0xa7: {  	_ =	sdelay $0x2  }
0xa8: {  	s20 =	simm.s32 $0x0  }
0xa9: {  	v17 =	vadd.s32 s20, v16  }
0xaa: {  	vm1 =	vlt.s32 v17, $0x180  }
0xab: {  	v17 =	vnsel vm1, $0x0, v17  }
0xac: {  	v18 =	vadd.s32 $0x240, v17;
	_ =	sdelay $0x4  }
0xad: {  	v18 =	vld.idx.msk [tilespmem:v18+s10+$0x0], $0xffff;
	_ =	sdelay $0x4  }
0xae: {  	v18 =	vmul.f32 v18, v13  }
0xaf: {  	s20 =	sadd.s32 $0x1, s20  }
0xb0: {  	p0 =	sne.s32 s19, s20;
	v18 =	vadd.f32 v18, v15  }
.Ltmp12:
0xb1: {  	_ = 	snop;
	(pc) =	sbr.rel @!p0 .LBB2_13-.Ltmp12, $3  }
0xb2: {  	v18 =	vsub.f32 v18, v14;
	_ =	sdelay $0x1  }
0xb3: {  	v18 =	vand.u32 $0x7FFFFFFF, v18  }
0xb4: {  	vm2 =	vlt.f32 v18, $3.000000000e+00  }
.LBB2_12:
0xb5: {  	v18 =	vadd.s32 s20, v16;
	s20 =	sadd.s32 $0x1, s20;
	vm2 =	vmand vm1, vm2  }
0xb6: {  	v19 =	vadd.s32 v9, v17;
	vm1 =	vlt.s32 v18, $0x180;
	p0 =	sne.s32 s19, s20;
	vm2 =	vmand vm2, vm0  }
0xb7: {  	v17 =	vnsel vm1, $0x0, v18;
	v18 =	vsel vm2, v19, v7  }
0xb8: {  	v19 =	vadd.s32 $0x240, v17;
	_ =	sdelay $0x3  }
0xb9: {  	[tilespmem:v18+s11+$0x0] =	vst.idx.msk $0xffff, v8  }
0xba: {  	v18 =	vld.idx.msk [tilespmem:v19+s10+$0x0], $0xffff;
	_ =	sdelay $0x5  }
0xbb: {  	v18 =	vmul.f32 v18, v13;
	_ =	sdelay $0x1  }
0xbc: {  	v18 =	vadd.f32 v18, v15  }
.Ltmp13:
0xbd: {  	(pc) =	sbr.rel @p0 .LBB2_12-.Ltmp13, $3  }
0xbe: {  	v18 =	vsub.f32 v18, v14;
	_ =	sdelay $0x1  }
0xbf: {  	v18 =	vand.u32 $0x7FFFFFFF, v18  }
0xc0: {  	vm2 =	vlt.f32 v18, $3.000000000e+00  }
.Ltmp14:
0xc1: {  	_ = 	snop;
	(pc) =	sbr.rel .LBB2_13-.Ltmp14, $1  }
0xc2: {  	_ =	sdelay $0x3  }
.LBB2_17:
0xc3: {  	_ =	sfence.sel $0x180000  }
0xc4: {  	[bflag:$0x0] =	sbarrier.arrive $0xFFFF  }
0xc5: {  	p0 =	sne.s32 s0, $0x0;
	_ =	strace $0x90000047  }
0xc6: {  	s0 =	sadd.s32 @!p0 $0x100000, s1;
	[bflag:$0x2] =	sbarrier.arrive $0xFFFF  }
0xc7: {  	[sflag:s0] =	ssyncadd.tile.s32 @!p0 $0x1;
	_ =	shalt  }
.Lfunc_end2:
_tile_overlayer_lowered:
.L_overlay_start_2:
0xc8: {  	(tag) =	ssettag $0x2  }
0xc9: {  	s0 =	rddreg [dreg:$0x0];
	s2 =	stileid.u32  }
0xca: {  	s1 =	rddreg [dreg:$0x1];
	p0 =	sne.s32 s2, $0x0  }
0xcb: {  	s3 =	rddreg [dreg:$0x2];
	[bflag:$0x3] =	sbarrier.arrive $0xFFFF;
	s2 =	simm.s32 @!p0 $0x1C01  }
0xcc: {  	[timem:s3], [sflag:s2] =	dma.local @!p0 [hbm:s0], s1  }
0xcd: {  	s0 =	simm.s32 @!p0 $0x1  }
0xce: {  	_ =	swait.ge @!p0 [sflag:s0], s1  }
0xcf: {  	s1 =	ssub.s32 @!p0 $0x0, s1;
	[sflag:s0] =	ssyncset.done @!p0 $0x0  }
0xd0: {  	[sflag:s0] =	ssyncadd.s32 @!p0 s1  }
0xd1: {  	[bflag:$0x3] =	sbarrier.arrive $0xFFFF  }
0xd2: {  	_ =	shalt  }

</sc_bundles>
